<compile_context>
chip_gen: v7x
topology: tpu7x:2x2x1
jax: 0.10.2.dev20260603
libtpu: 0.0.44.dev20260713+nightly
codegen_flags: <defaults>
</compile_context>

<pallas_src>
import functools

import jax
import jax.numpy as jnp
from jax import lax
from jax.experimental import pallas as pl
from jax.experimental.pallas import tpu as pltpu
from jax.experimental.pallas import tpu_sc as plsc

B, T, D = 8, 2048, 256
K = 1024
SPAN = 8
S = T // SPAN

_HI = jax.lax.Precision.HIGHEST


def _en_body(emb_ref, en_ref, emb2_ref):
    ones_d8 = jnp.full((D, 8), 1.0, jnp.float32)
    emb = emb_ref[...]
    en_ref[...] = jax.lax.dot_general(emb * emb, ones_d8,
                                      (((1,), (0,)), ((), ())),
                                      precision=_HI)
    e_hi = emb.astype(jnp.bfloat16).astype(jnp.float32)
    emb2_ref[:, :D] = e_hi
    emb2_ref[:, D:] = emb - e_hi


def _vq_body(x_ref, emb_ref, wb_ref, bb_ref, en8_ref, emb2_ref,
             idx_ref, bnd_ref, loss_ref, acc_ref):
    b = pl.program_id(0)

    x4 = x_ref[0]
    xb = x4.reshape(T, D)
    wb = wb_ref[...]
    bb = bb_ref[0, 0]
    emb = emb_ref[...]

    wb8 = jnp.broadcast_to(wb, (8, D))
    logits8 = jax.lax.dot_general(xb, wb8,
                                  (((1,), (1,)), ((), ()))) + bb
    bound = (logits8[:, 0:1] > 0.0).astype(jnp.float32)
    bnd_ref[0] = bound

    acc = x4[:, 0, :]
    for j in range(1, SPAN):
        acc = acc + x4[:, j, :]
    pooled = acc * (1.0 / SPAN)

    en_col = en8_ref[:, 0:1]

    dots_t = jax.lax.dot_general(emb, pooled,
                                 (((1,), (1,)), ((), ())))
    dist_t = en_col - 2.0 * dots_t

    d = dist_t
    i = jax.lax.broadcasted_iota(jnp.int32, (K, S), 0)
    w = K // 2
    while w >= 1:
        d0, d1 = d[:w, :], d[w:2 * w, :]
        i0, i1 = i[:w, :], i[w:2 * w, :]
        take = d1 < d0
        d = jnp.where(take, d1, d0)
        i = jnp.where(take, i1, i0)
        w //= 2
    idx_row = i

    k_col = jax.lax.broadcasted_iota(jnp.int32, (K, S), 0)
    onehot_t = (k_col == idx_row).astype(jnp.float32)
    qparts = jax.lax.dot_general(onehot_t, emb2_ref[...],
                                 (((0,), (0,)), ((), ())))
    quantized = qparts[:, :D] + qparts[:, D:]

    k_i = jax.lax.broadcasted_iota(jnp.int32, (K, 1), 0)
    k_hi = ((k_i // 32) * 32).astype(jnp.float32)
    k_lo = (k_i % 32).astype(jnp.float32)
    k_parts = jnp.concatenate([jnp.broadcast_to(k_hi, (K, 8)),
                               jnp.broadcast_to(k_lo, (K, 8))], axis=1)
    parts = jax.lax.dot_general(onehot_t, k_parts,
                                (((0,), (0,)), ((), ())))
    idxc = (parts[:, 0:1] + parts[:, 8:9]).astype(jnp.int32)
    idx_ref[0] = jnp.broadcast_to(idxc, (S, SPAN))

    diff2 = (quantized - pooled) ** 2
    ones_8s = jnp.full((8, S), 1.0, jnp.float32)
    row8 = jax.lax.dot_general(ones_8s, diff2,
                               (((1,), (0,)), ((), ())))
    ones_d8b = jnp.full((D, 8), 1.0, jnp.float32)
    sq11 = jax.lax.dot_general(row8, ones_d8b,
                               (((1,), (0,)), ((), ()))
                               )[0:1, 0:1]
    ones_8t = jnp.full((8, T), 1.0, jnp.float32)
    bound8 = jnp.broadcast_to(bound, (T, 8))
    sb11 = jax.lax.dot_general(ones_8t, bound8,
                               (((1,), (0,)), ((), ()))
                               )[0:1, 0:1]

    @pl.when(b == 0)
    def _():
        acc_ref[:, 0:1] = sq11
        acc_ref[:, 1:2] = sb11

    @pl.when(b > 0)
    def _():
        acc_ref[:, 0:1] += sq11
        acc_ref[:, 1:2] += sb11

    @pl.when(b == B - 1)
    def _():
        e_latent = acc_ref[:, 0:1] * (1.0 / (B * S * D))
        rate = acc_ref[:, 1:2] * (1.0 / (B * T))
        loss_ref[...] = 0.25 * e_latent + 0.01 * (rate - 1.0 / SPAN) ** 2


_NC, _NS = 2, 16
_NW = _NC * _NS
_BT = B * T
_ROWS_PER_W = _BT // _NW
_CHUNK = 128
_N_CHUNKS = _ROWS_PER_W // _CHUNK


def _sc_gather_body(table_hbm, idx_hbm, out_hbm, idx_v, rows_v, sem):
    wid = lax.axis_index("s") * _NC + lax.axis_index("c")
    base = wid * _ROWS_PER_W
    for c in range(_N_CHUNKS):
        off = base + c * _CHUNK
        pltpu.sync_copy(idx_hbm.at[pl.ds(off, _CHUNK)], idx_v)
        pltpu.async_copy(table_hbm.at[idx_v], rows_v, sem).wait()
        pltpu.sync_copy(rows_v, out_hbm.at[pl.ds(off, _CHUNK)])


_sc_gather = functools.partial(
    pl.kernel,
    out_type=jax.ShapeDtypeStruct((_BT, D), jnp.float32),
    mesh=plsc.VectorSubcoreMesh(core_axis_name="c", subcore_axis_name="s",
                                num_cores=_NC, num_subcores=_NS),
    scratch_types=[
        pltpu.VMEM((_CHUNK,), jnp.int32),
        pltpu.VMEM((_CHUNK, D), jnp.float32),
        pltpu.SemaphoreType.DMA,
    ],
)(_sc_gather_body)


@jax.jit
def kernel(x, embedding, Wb, bb):
    x4 = x.reshape(B, S, SPAN, D)
    wb2 = Wb.reshape(1, D)
    bb2 = jnp.asarray(bb, jnp.float32).reshape(1, 1)

    en8, emb2 = pl.pallas_call(
        _en_body,
        out_shape=[jax.ShapeDtypeStruct((K, 8), jnp.float32),
                   jax.ShapeDtypeStruct((K, 2 * D), jnp.float32)],
    )(embedding)

    idx3, bnd, loss = pl.pallas_call(
        _vq_body,
        grid=(B,),
        in_specs=[
            pl.BlockSpec((1, S, SPAN, D), lambda b: (b, 0, 0, 0)),
            pl.BlockSpec((K, D), lambda b: (0, 0)),
            pl.BlockSpec((1, D), lambda b: (0, 0)),
            pl.BlockSpec((1, 1), lambda b: (0, 0), memory_space=pltpu.SMEM),
            pl.BlockSpec((K, 8), lambda b: (0, 0)),
            pl.BlockSpec((K, 2 * D), lambda b: (0, 0)),
        ],
        out_specs=[
            pl.BlockSpec((1, S, SPAN), lambda b: (b, 0, 0)),
            pl.BlockSpec((1, T, 1), lambda b: (b, 0, 0)),
            pl.BlockSpec((1, 1), lambda b: (0, 0)),
        ],
        out_shape=[
            jax.ShapeDtypeStruct((B, S, SPAN), jnp.int32),
            jax.ShapeDtypeStruct((B, T, 1), jnp.float32),
            jax.ShapeDtypeStruct((1, 1), jnp.float32),
        ],
        scratch_shapes=[pltpu.VMEM((1, 2), jnp.float32)],
    )(x4, embedding, wb2, bb2, en8, emb2)

    indices_out = idx3.reshape(B, T)
    q_flat = _sc_gather(embedding, idx3.reshape(B * T))
    quantized_out = q_flat.reshape(B, T, D)
    total_loss = loss[0, 0]
    return quantized_out, total_loss, indices_out, bnd.reshape(B, T)

# --- scband reference (transcript-rebuilt; emitter-appended) ---
"""Pipeline reference for scband-adaptive-temporal-vq-56882546868551 (READ-ONLY COPY).

The authoritative reference and input builder live on the scoring server;
editing this copy changes nothing except your own understanding.
"""

import jax, jax.numpy as jnp
import numpy as np

B, T, D = 8, 2048, 256
K = 1024
SPAN = 8  # max_span / fixed_segment_size


def setup_inputs(seed: int = 0) -> dict:
    key = jax.random.key(seed)
    k1, k2, k3 = jax.random.split(key, 3)
    x = jax.random.normal(k1, (B, T, D), dtype=jnp.float32)
    embedding = jax.random.normal(k2, (K, D), dtype=jnp.float32) * 0.02
    Wb = jax.random.normal(k3, (D,), dtype=jnp.float32) * 0.02
    bb = jnp.zeros((), dtype=jnp.float32)
    return {"x": x, "embedding": embedding, "Wb": Wb, "bb": bb}


def reference(x, embedding, Wb, bb):
    # boundary predictor (eval path: hard threshold on sigmoid)
    boundary_logits = jnp.einsum('btd,d->bt', x, Wb) + bb
    boundaries = (jax.nn.sigmoid(boundary_logits) > 0.5).astype(jnp.float32)

    # fixed-size segmentation (T divisible by SPAN -> no padding)
    num_segments = (T + SPAN - 1) // SPAN
    pad_length = num_segments * SPAN - T
    x_padded = jnp.pad(x, ((0, 0), (0, pad_length), (0, 0))) if pad_length > 0 else x
    x_segments = x_padded.reshape(B, num_segments, SPAN, D)
    pooled = x_segments.mean(axis=2)

    # VectorQuantizer (eval: no EMA updates)
    flat_input = pooled.reshape(-1, D)
    distances = (jnp.sum(flat_input ** 2, axis=1, keepdims=True)
                 + jnp.sum(embedding ** 2, axis=1)
                 - 2.0 * flat_input @ embedding.T)
    encoding_indices = jnp.argmin(distances, axis=1)
    quantized = jnp.take(embedding, encoding_indices, axis=0).reshape(pooled.shape)
    e_latent_loss = jnp.mean((jax.lax.stop_gradient(quantized) - pooled) ** 2)
    vq_loss = 0.25 * e_latent_loss
    quantized = pooled + jax.lax.stop_gradient(quantized - pooled)
    indices = encoding_indices.reshape(B, num_segments)

    # expand back to frame level
    quantized_expanded = jnp.broadcast_to(quantized[:, :, None, :], (B, num_segments, SPAN, D))
    quantized_expanded = quantized_expanded.reshape(B, num_segments * SPAN, D)
    quantized_out = quantized_expanded[:, :T, :]

    indices_expanded = jnp.broadcast_to(indices[:, :, None], (B, num_segments, SPAN))
    indices_out = indices_expanded.reshape(B, num_segments * SPAN)[:, :T]

    target_boundary_rate = 1.0 / SPAN
    boundary_rate = boundaries.mean()
    boundary_loss = (boundary_rate - target_boundary_rate) ** 2
    total_loss = vq_loss + 0.01 * boundary_loss
    return quantized_out, total_loss, indices_out, boundaries

if __name__ == "__main__":
    import jax
    _d = setup_inputs()
    print(jax.jit(kernel)(*tuple(_d.values())))

</pallas_src>

<mosaic_0001>
#map = affine_map<(d0, d1) -> (0, 0)>
#map1 = affine_map<(d0, d1) -> (0)>
module attributes {stable_mosaic.version = 14 : i64} {
  func.func @_sc_gather_body(%arg0: i32, %arg1: i32, %arg2: memref<1024x256xf32, #tpu.memory_space<hbm>>, %arg3: memref<16384xi32, #tpu.memory_space<hbm>>, %arg4: memref<16384x256xf32, #tpu.memory_space<hbm>>, %arg5: memref<128xi32, #tpu.memory_space<vmem>>, %arg6: memref<128x256xf32, #tpu.memory_space<vmem>>, %arg7: memref<!tpu.dma_semaphore, #tpu.memory_space<semaphore_mem>>) attributes {dimension_semantics = [#tpu.dimension_semantics<core_parallel>, #tpu.dimension_semantics<subcore_parallel>], iteration_bounds = array<i64: 2, 16>, scalar_prefetch = 0 : i64, scratch_operands = 3 : i64, tpu.core_type = #tpu.core_type<sc_vector_subcore>, window_params = [{transform_indices = #map}, {transform_indices = #map1}, {transform_indices = #map}]} {
    %mul3A = arith.constant 2 : i32
    %mul3A_0 = arith.muli %arg1, %mul3A : i32
    %add3A = arith.addi %mul3A_0, %arg0 : i32
    %mul3A_1 = arith.constant 512 : i32
    %mul3A_2 = arith.muli %add3A, %mul3A_1 : i32
    %add3A_3 = arith.constant 0 : i32
    %add3A_4 = arith.addi %mul3A_2, %add3A_3 : i32
    "tpu.region"() ({
      %run_scoped3A = tpu.sem_alloc : memref<!tpu.dma_semaphore, #tpu.memory_space<semaphore_mem>>
      %dma_start3A_33 = tpu.memref_slice %arg3[%add3A_4] : memref<16384xi32, #tpu.memory_space<hbm>> -> memref<128xi32, #tpu.memory_space<hbm>>
      %dma_start3A_34 = tpu.memref_slice %arg3[%add3A_4] : memref<16384xi32, #tpu.memory_space<hbm>> -> memref<128xi32, #tpu.memory_space<hbm>>
      tpu.enqueue_dma source(%dma_start3A_34 : memref<128xi32, #tpu.memory_space<hbm>>) target(%arg5 : memref<128xi32, #tpu.memory_space<vmem>>) target_semaphore(%run_scoped3A : memref<!tpu.dma_semaphore, #tpu.memory_space<semaphore_mem>>)
      %dma_wait3A_35 = tpu.memref_slice %arg3[%add3A_4] : memref<16384xi32, #tpu.memory_space<hbm>> -> memref<128xi32, #tpu.memory_space<hbm>>
      %dma_wait3A_36 = tpu.memref_slice %arg3[%add3A_4] : memref<16384xi32, #tpu.memory_space<hbm>> -> memref<128xi32, #tpu.memory_space<hbm>>
      tpu.wait_dma2 semaphore(%run_scoped3A : memref<!tpu.dma_semaphore, #tpu.memory_space<semaphore_mem>>) src(%dma_wait3A_36 : memref<128xi32, #tpu.memory_space<hbm>>) dst(%arg5 : memref<128xi32, #tpu.memory_space<vmem>>)
      tpu.yield
    }) : () -> ()
    %dma_start3A = arith.constant 0 : i32
    %dma_start3A_5 = arith.constant 0 : i32
    %dma_start3A_6 = tpu.memref_slice %arg2[%dma_start3A, %dma_start3A_5] : memref<1024x256xf32, #tpu.memory_space<hbm>> -> memref<1024x256xf32, #tpu.memory_space<hbm>>
    tpu.enqueue_indirect_dma source(%dma_start3A_6 : memref<1024x256xf32, #tpu.memory_space<hbm>>) target(%arg6 : memref<128x256xf32, #tpu.memory_space<vmem>>) offsets(%arg5 : memref<128xi32, #tpu.memory_space<vmem>>) semaphore(%arg7 : memref<!tpu.dma_semaphore, #tpu.memory_space<semaphore_mem>>)
    %dma_wait3A = arith.constant 0 : i32
    %dma_wait3A_7 = arith.constant 0 : i32
    %dma_wait3A_8 = tpu.memref_slice %arg2[%dma_wait3A, %dma_wait3A_7] : memref<1024x256xf32, #tpu.memory_space<hbm>> -> memref<1024x256xf32, #tpu.memory_space<hbm>>
    tpu.wait_indirect_dma semaphore(%arg7 : memref<!tpu.dma_semaphore, #tpu.memory_space<semaphore_mem>>) src(%dma_wait3A_8 : memref<1024x256xf32, #tpu.memory_space<hbm>>) dst(%arg6 : memref<128x256xf32, #tpu.memory_space<vmem>>)
    "tpu.region"() ({
      %run_scoped3A = tpu.sem_alloc : memref<!tpu.dma_semaphore, #tpu.memory_space<semaphore_mem>>
      %dma_start3A_33 = arith.constant 0 : i32
      %dma_start3A_34 = tpu.memref_slice %arg4[%add3A_4, %dma_start3A_33] : memref<16384x256xf32, #tpu.memory_space<hbm>> -> memref<128x256xf32, #tpu.memory_space<hbm>>
      %dma_start3A_35 = arith.constant 0 : i32
      %dma_start3A_36 = tpu.memref_slice %arg4[%add3A_4, %dma_start3A_35] : memref<16384x256xf32, #tpu.memory_space<hbm>> -> memref<128x256xf32, #tpu.memory_space<hbm>>
      tpu.enqueue_dma source(%arg6 : memref<128x256xf32, #tpu.memory_space<vmem>>) target(%dma_start3A_36 : memref<128x256xf32, #tpu.memory_space<hbm>>) target_semaphore(%run_scoped3A : memref<!tpu.dma_semaphore, #tpu.memory_space<semaphore_mem>>)
      %dma_wait3A_37 = arith.constant 0 : i32
      %dma_wait3A_38 = tpu.memref_slice %arg4[%add3A_4, %dma_wait3A_37] : memref<16384x256xf32, #tpu.memory_space<hbm>> -> memref<128x256xf32, #tpu.memory_space<hbm>>
      %dma_wait3A_39 = arith.constant 0 : i32
      %dma_wait3A_40 = tpu.memref_slice %arg4[%add3A_4, %dma_wait3A_39] : memref<16384x256xf32, #tpu.memory_space<hbm>> -> memref<128x256xf32, #tpu.memory_space<hbm>>
      tpu.wait_dma2 semaphore(%run_scoped3A : memref<!tpu.dma_semaphore, #tpu.memory_space<semaphore_mem>>) src(%arg6 : memref<128x256xf32, #tpu.memory_space<vmem>>) dst(%dma_wait3A_40 : memref<128x256xf32, #tpu.memory_space<hbm>>)
      tpu.yield
    }) : () -> ()
    %add3A_9 = arith.constant 128 : i32
    %add3A_10 = arith.addi %mul3A_2, %add3A_9 : i32
    "tpu.region"() ({
      %run_scoped3A = tpu.sem_alloc : memref<!tpu.dma_semaphore, #tpu.memory_space<semaphore_mem>>
      %dma_start3A_33 = tpu.memref_slice %arg3[%add3A_10] : memref<16384xi32, #tpu.memory_space<hbm>> -> memref<128xi32, #tpu.memory_space<hbm>>
      %dma_start3A_34 = tpu.memref_slice %arg3[%add3A_10] : memref<16384xi32, #tpu.memory_space<hbm>> -> memref<128xi32, #tpu.memory_space<hbm>>
      tpu.enqueue_dma source(%dma_start3A_34 : memref<128xi32, #tpu.memory_space<hbm>>) target(%arg5 : memref<128xi32, #tpu.memory_space<vmem>>) target_semaphore(%run_scoped3A : memref<!tpu.dma_semaphore, #tpu.memory_space<semaphore_mem>>)
      %dma_wait3A_35 = tpu.memref_slice %arg3[%add3A_10] : memref<16384xi32, #tpu.memory_space<hbm>> -> memref<128xi32, #tpu.memory_space<hbm>>
      %dma_wait3A_36 = tpu.memref_slice %arg3[%add3A_10] : memref<16384xi32, #tpu.memory_space<hbm>> -> memref<128xi32, #tpu.memory_space<hbm>>
      tpu.wait_dma2 semaphore(%run_scoped3A : memref<!tpu.dma_semaphore, #tpu.memory_space<semaphore_mem>>) src(%dma_wait3A_36 : memref<128xi32, #tpu.memory_space<hbm>>) dst(%arg5 : memref<128xi32, #tpu.memory_space<vmem>>)
      tpu.yield
    }) : () -> ()
    %dma_start3A_11 = arith.constant 0 : i32
    %dma_start3A_12 = arith.constant 0 : i32
    %dma_start3A_13 = tpu.memref_slice %arg2[%dma_start3A_11, %dma_start3A_12] : memref<1024x256xf32, #tpu.memory_space<hbm>> -> memref<1024x256xf32, #tpu.memory_space<hbm>>
    tpu.enqueue_indirect_dma source(%dma_start3A_13 : memref<1024x256xf32, #tpu.memory_space<hbm>>) target(%arg6 : memref<128x256xf32, #tpu.memory_space<vmem>>) offsets(%arg5 : memref<128xi32, #tpu.memory_space<vmem>>) semaphore(%arg7 : memref<!tpu.dma_semaphore, #tpu.memory_space<semaphore_mem>>)
    %dma_wait3A_14 = arith.constant 0 : i32
    %dma_wait3A_15 = arith.constant 0 : i32
    %dma_wait3A_16 = tpu.memref_slice %arg2[%dma_wait3A_14, %dma_wait3A_15] : memref<1024x256xf32, #tpu.memory_space<hbm>> -> memref<1024x256xf32, #tpu.memory_space<hbm>>
    tpu.wait_indirect_dma semaphore(%arg7 : memref<!tpu.dma_semaphore, #tpu.memory_space<semaphore_mem>>) src(%dma_wait3A_16 : memref<1024x256xf32, #tpu.memory_space<hbm>>) dst(%arg6 : memref<128x256xf32, #tpu.memory_space<vmem>>)
    "tpu.region"() ({
      %run_scoped3A = tpu.sem_alloc : memref<!tpu.dma_semaphore, #tpu.memory_space<semaphore_mem>>
      %dma_start3A_33 = arith.constant 0 : i32
      %dma_start3A_34 = tpu.memref_slice %arg4[%add3A_10, %dma_start3A_33] : memref<16384x256xf32, #tpu.memory_space<hbm>> -> memref<128x256xf32, #tpu.memory_space<hbm>>
      %dma_start3A_35 = arith.constant 0 : i32
      %dma_start3A_36 = tpu.memref_slice %arg4[%add3A_10, %dma_start3A_35] : memref<16384x256xf32, #tpu.memory_space<hbm>> -> memref<128x256xf32, #tpu.memory_space<hbm>>
      tpu.enqueue_dma source(%arg6 : memref<128x256xf32, #tpu.memory_space<vmem>>) target(%dma_start3A_36 : memref<128x256xf32, #tpu.memory_space<hbm>>) target_semaphore(%run_scoped3A : memref<!tpu.dma_semaphore, #tpu.memory_space<semaphore_mem>>)
      %dma_wait3A_37 = arith.constant 0 : i32
      %dma_wait3A_38 = tpu.memref_slice %arg4[%add3A_10, %dma_wait3A_37] : memref<16384x256xf32, #tpu.memory_space<hbm>> -> memref<128x256xf32, #tpu.memory_space<hbm>>
      %dma_wait3A_39 = arith.constant 0 : i32
      %dma_wait3A_40 = tpu.memref_slice %arg4[%add3A_10, %dma_wait3A_39] : memref<16384x256xf32, #tpu.memory_space<hbm>> -> memref<128x256xf32, #tpu.memory_space<hbm>>
      tpu.wait_dma2 semaphore(%run_scoped3A : memref<!tpu.dma_semaphore, #tpu.memory_space<semaphore_mem>>) src(%arg6 : memref<128x256xf32, #tpu.memory_space<vmem>>) dst(%dma_wait3A_40 : memref<128x256xf32, #tpu.memory_space<hbm>>)
      tpu.yield
    }) : () -> ()
    %add3A_17 = arith.constant 256 : i32
    %add3A_18 = arith.addi %mul3A_2, %add3A_17 : i32
    "tpu.region"() ({
      %run_scoped3A = tpu.sem_alloc : memref<!tpu.dma_semaphore, #tpu.memory_space<semaphore_mem>>
      %dma_start3A_33 = tpu.memref_slice %arg3[%add3A_18] : memref<16384xi32, #tpu.memory_space<hbm>> -> memref<128xi32, #tpu.memory_space<hbm>>
      %dma_start3A_34 = tpu.memref_slice %arg3[%add3A_18] : memref<16384xi32, #tpu.memory_space<hbm>> -> memref<128xi32, #tpu.memory_space<hbm>>
      tpu.enqueue_dma source(%dma_start3A_34 : memref<128xi32, #tpu.memory_space<hbm>>) target(%arg5 : memref<128xi32, #tpu.memory_space<vmem>>) target_semaphore(%run_scoped3A : memref<!tpu.dma_semaphore, #tpu.memory_space<semaphore_mem>>)
      %dma_wait3A_35 = tpu.memref_slice %arg3[%add3A_18] : memref<16384xi32, #tpu.memory_space<hbm>> -> memref<128xi32, #tpu.memory_space<hbm>>
      %dma_wait3A_36 = tpu.memref_slice %arg3[%add3A_18] : memref<16384xi32, #tpu.memory_space<hbm>> -> memref<128xi32, #tpu.memory_space<hbm>>
      tpu.wait_dma2 semaphore(%run_scoped3A : memref<!tpu.dma_semaphore, #tpu.memory_space<semaphore_mem>>) src(%dma_wait3A_36 : memref<128xi32, #tpu.memory_space<hbm>>) dst(%arg5 : memref<128xi32, #tpu.memory_space<vmem>>)
      tpu.yield
    }) : () -> ()
    %dma_start3A_19 = arith.constant 0 : i32
    %dma_start3A_20 = arith.constant 0 : i32
    %dma_start3A_21 = tpu.memref_slice %arg2[%dma_start3A_19, %dma_start3A_20] : memref<1024x256xf32, #tpu.memory_space<hbm>> -> memref<1024x256xf32, #tpu.memory_space<hbm>>
    tpu.enqueue_indirect_dma source(%dma_start3A_21 : memref<1024x256xf32, #tpu.memory_space<hbm>>) target(%arg6 : memref<128x256xf32, #tpu.memory_space<vmem>>) offsets(%arg5 : memref<128xi32, #tpu.memory_space<vmem>>) semaphore(%arg7 : memref<!tpu.dma_semaphore, #tpu.memory_space<semaphore_mem>>)
    %dma_wait3A_22 = arith.constant 0 : i32
    %dma_wait3A_23 = arith.constant 0 : i32
    %dma_wait3A_24 = tpu.memref_slice %arg2[%dma_wait3A_22, %dma_wait3A_23] : memref<1024x256xf32, #tpu.memory_space<hbm>> -> memref<1024x256xf32, #tpu.memory_space<hbm>>
    tpu.wait_indirect_dma semaphore(%arg7 : memref<!tpu.dma_semaphore, #tpu.memory_space<semaphore_mem>>) src(%dma_wait3A_24 : memref<1024x256xf32, #tpu.memory_space<hbm>>) dst(%arg6 : memref<128x256xf32, #tpu.memory_space<vmem>>)
    "tpu.region"() ({
      %run_scoped3A = tpu.sem_alloc : memref<!tpu.dma_semaphore, #tpu.memory_space<semaphore_mem>>
      %dma_start3A_33 = arith.constant 0 : i32
      %dma_start3A_34 = tpu.memref_slice %arg4[%add3A_18, %dma_start3A_33] : memref<16384x256xf32, #tpu.memory_space<hbm>> -> memref<128x256xf32, #tpu.memory_space<hbm>>
      %dma_start3A_35 = arith.constant 0 : i32
      %dma_start3A_36 = tpu.memref_slice %arg4[%add3A_18, %dma_start3A_35] : memref<16384x256xf32, #tpu.memory_space<hbm>> -> memref<128x256xf32, #tpu.memory_space<hbm>>
      tpu.enqueue_dma source(%arg6 : memref<128x256xf32, #tpu.memory_space<vmem>>) target(%dma_start3A_36 : memref<128x256xf32, #tpu.memory_space<hbm>>) target_semaphore(%run_scoped3A : memref<!tpu.dma_semaphore, #tpu.memory_space<semaphore_mem>>)
      %dma_wait3A_37 = arith.constant 0 : i32
      %dma_wait3A_38 = tpu.memref_slice %arg4[%add3A_18, %dma_wait3A_37] : memref<16384x256xf32, #tpu.memory_space<hbm>> -> memref<128x256xf32, #tpu.memory_space<hbm>>
      %dma_wait3A_39 = arith.constant 0 : i32
      %dma_wait3A_40 = tpu.memref_slice %arg4[%add3A_18, %dma_wait3A_39] : memref<16384x256xf32, #tpu.memory_space<hbm>> -> memref<128x256xf32, #tpu.memory_space<hbm>>
      tpu.wait_dma2 semaphore(%run_scoped3A : memref<!tpu.dma_semaphore, #tpu.memory_space<semaphore_mem>>) src(%arg6 : memref<128x256xf32, #tpu.memory_space<vmem>>) dst(%dma_wait3A_40 : memref<128x256xf32, #tpu.memory_space<hbm>>)
      tpu.yield
    }) : () -> ()
    %add3A_25 = arith.constant 384 : i32
    %add3A_26 = arith.addi %mul3A_2, %add3A_25 : i32
    "tpu.region"() ({
      %run_scoped3A = tpu.sem_alloc : memref<!tpu.dma_semaphore, #tpu.memory_space<semaphore_mem>>
      %dma_start3A_33 = tpu.memref_slice %arg3[%add3A_26] : memref<16384xi32, #tpu.memory_space<hbm>> -> memref<128xi32, #tpu.memory_space<hbm>>
      %dma_start3A_34 = tpu.memref_slice %arg3[%add3A_26] : memref<16384xi32, #tpu.memory_space<hbm>> -> memref<128xi32, #tpu.memory_space<hbm>>
      tpu.enqueue_dma source(%dma_start3A_34 : memref<128xi32, #tpu.memory_space<hbm>>) target(%arg5 : memref<128xi32, #tpu.memory_space<vmem>>) target_semaphore(%run_scoped3A : memref<!tpu.dma_semaphore, #tpu.memory_space<semaphore_mem>>)
      %dma_wait3A_35 = tpu.memref_slice %arg3[%add3A_26] : memref<16384xi32, #tpu.memory_space<hbm>> -> memref<128xi32, #tpu.memory_space<hbm>>
      %dma_wait3A_36 = tpu.memref_slice %arg3[%add3A_26] : memref<16384xi32, #tpu.memory_space<hbm>> -> memref<128xi32, #tpu.memory_space<hbm>>
      tpu.wait_dma2 semaphore(%run_scoped3A : memref<!tpu.dma_semaphore, #tpu.memory_space<semaphore_mem>>) src(%dma_wait3A_36 : memref<128xi32, #tpu.memory_space<hbm>>) dst(%arg5 : memref<128xi32, #tpu.memory_space<vmem>>)
      tpu.yield
    }) : () -> ()
    %dma_start3A_27 = arith.constant 0 : i32
    %dma_start3A_28 = arith.constant 0 : i32
    %dma_start3A_29 = tpu.memref_slice %arg2[%dma_start3A_27, %dma_start3A_28] : memref<1024x256xf32, #tpu.memory_space<hbm>> -> memref<1024x256xf32, #tpu.memory_space<hbm>>
    tpu.enqueue_indirect_dma source(%dma_start3A_29 : memref<1024x256xf32, #tpu.memory_space<hbm>>) target(%arg6 : memref<128x256xf32, #tpu.memory_space<vmem>>) offsets(%arg5 : memref<128xi32, #tpu.memory_space<vmem>>) semaphore(%arg7 : memref<!tpu.dma_semaphore, #tpu.memory_space<semaphore_mem>>)
    %dma_wait3A_30 = arith.constant 0 : i32
    %dma_wait3A_31 = arith.constant 0 : i32
    %dma_wait3A_32 = tpu.memref_slice %arg2[%dma_wait3A_30, %dma_wait3A_31] : memref<1024x256xf32, #tpu.memory_space<hbm>> -> memref<1024x256xf32, #tpu.memory_space<hbm>>
    tpu.wait_indirect_dma semaphore(%arg7 : memref<!tpu.dma_semaphore, #tpu.memory_space<semaphore_mem>>) src(%dma_wait3A_32 : memref<1024x256xf32, #tpu.memory_space<hbm>>) dst(%arg6 : memref<128x256xf32, #tpu.memory_space<vmem>>)
    "tpu.region"() ({
      %run_scoped3A = tpu.sem_alloc : memref<!tpu.dma_semaphore, #tpu.memory_space<semaphore_mem>>
      %dma_start3A_33 = arith.constant 0 : i32
      %dma_start3A_34 = tpu.memref_slice %arg4[%add3A_26, %dma_start3A_33] : memref<16384x256xf32, #tpu.memory_space<hbm>> -> memref<128x256xf32, #tpu.memory_space<hbm>>
      %dma_start3A_35 = arith.constant 0 : i32
      %dma_start3A_36 = tpu.memref_slice %arg4[%add3A_26, %dma_start3A_35] : memref<16384x256xf32, #tpu.memory_space<hbm>> -> memref<128x256xf32, #tpu.memory_space<hbm>>
      tpu.enqueue_dma source(%arg6 : memref<128x256xf32, #tpu.memory_space<vmem>>) target(%dma_start3A_36 : memref<128x256xf32, #tpu.memory_space<hbm>>) target_semaphore(%run_scoped3A : memref<!tpu.dma_semaphore, #tpu.memory_space<semaphore_mem>>)
      %dma_wait3A_37 = arith.constant 0 : i32
      %dma_wait3A_38 = tpu.memref_slice %arg4[%add3A_26, %dma_wait3A_37] : memref<16384x256xf32, #tpu.memory_space<hbm>> -> memref<128x256xf32, #tpu.memory_space<hbm>>
      %dma_wait3A_39 = arith.constant 0 : i32
      %dma_wait3A_40 = tpu.memref_slice %arg4[%add3A_26, %dma_wait3A_39] : memref<16384x256xf32, #tpu.memory_space<hbm>> -> memref<128x256xf32, #tpu.memory_space<hbm>>
      tpu.wait_dma2 semaphore(%run_scoped3A : memref<!tpu.dma_semaphore, #tpu.memory_space<semaphore_mem>>) src(%arg6 : memref<128x256xf32, #tpu.memory_space<vmem>>) dst(%dma_wait3A_40 : memref<128x256xf32, #tpu.memory_space<hbm>>)
      tpu.yield
    }) : () -> ()
    return
  }
}

module attributes {stable_mosaic.version = 14 : i64} {
  func.func @_en_body(%arg0: memref<1024x256xf32, #tpu.memory_space<vmem>>, %arg1: memref<1024x8xf32, #tpu.memory_space<vmem>>, %arg2: memref<1024x512xf32, #tpu.memory_space<vmem>>) attributes {dimension_semantics = [], scalar_prefetch = 0 : i64, scratch_operands = 0 : i64, tpu.core_type = #tpu.core_type<tc>} {
    %broadcast_in_dim3A = arith.constant 1.000000e+00 : f32
    %broadcast_in_dim3A_0 = vector.broadcast %broadcast_in_dim3A : f32 to vector<256x8xf32>
    %get3A = arith.constant 0 : index
    %get3A_1 = arith.constant 0 : index
    %get3A_2 = vector.load %arg0[%get3A, %get3A_1] : memref<1024x256xf32, #tpu.memory_space<vmem>>, vector<1024x256xf32>
    %mul3A = arith.mulf %get3A_2, %get3A_2 : vector<1024x256xf32>
    %dot_general3A = arith.constant dense<0.000000e+00> : vector<1024x8xf32>
    %dot_general3A_3 = tpu.matmul %mul3A, %broadcast_in_dim3A_0, %dot_general3A {dimension_numbers = #tpu.dot_dimension_numbers<[1], [0], [0], [1], [0, 0, 1, 1], [], []>, precision = #tpu.contract_precision<fp32>, transpose_lhs_hint = false} : vector<1024x256xf32>, vector<256x8xf32>, vector<1024x8xf32> -> vector<1024x8xf32>
    %swap3A = arith.constant 0 : index
    %swap3A_4 = arith.constant 0 : index
    %swap3A_5 = vector.load %arg1[%swap3A, %swap3A_4] : memref<1024x8xf32, #tpu.memory_space<vmem>>, vector<1024x8xf32>
    tpu.vector_store %arg1[%swap3A, %swap3A_4], %dot_general3A_3 {strides = array<i32>} : memref<1024x8xf32, #tpu.memory_space<vmem>>, vector<1024x8xf32>,
    %convert_element_type3A = arith.truncf %get3A_2 : vector<1024x256xf32> to vector<1024x256xbf16>
    %convert_element_type3A_6 = arith.extf %convert_element_type3A : vector<1024x256xbf16> to vector<1024x256xf32>
    %swap3A_7 = arith.constant 0 : index
    %swap3A_8 = arith.constant 0 : index
    %swap3A_9 = vector.load %arg2[%swap3A_7, %swap3A_8] : memref<1024x512xf32, #tpu.memory_space<vmem>>, vector<1024x256xf32>
    tpu.vector_store %arg2[%swap3A_7, %swap3A_8], %convert_element_type3A_6 {strides = array<i32>} : memref<1024x512xf32, #tpu.memory_space<vmem>>, vector<1024x256xf32>,
    %sub3A = arith.subf %get3A_2, %convert_element_type3A_6 : vector<1024x256xf32>
    %swap3A_10 = arith.constant 0 : index
    %swap3A_11 = arith.constant 256 : index
    %swap3A_12 = vector.load %arg2[%swap3A_10, %swap3A_11] : memref<1024x512xf32, #tpu.memory_space<vmem>>, vector<1024x256xf32>
    tpu.vector_store %arg2[%swap3A_10, %swap3A_11], %sub3A {strides = array<i32>} : memref<1024x512xf32, #tpu.memory_space<vmem>>, vector<1024x256xf32>,
    return
  }
}

module attributes {stable_mosaic.version = 14 : i64} {
  func.func @_vq_body(%arg0: i32, %arg1: memref<1x256x8x256xf32, #tpu.memory_space<vmem>>, %arg2: memref<1024x256xf32, #tpu.memory_space<vmem>>, %arg3: memref<1x256xf32, #tpu.memory_space<vmem>>, %arg4: memref<1x1xf32, #tpu.memory_space<smem>>, %arg5: memref<1024x8xf32, #tpu.memory_space<vmem>>, %arg6: memref<1024x512xf32, #tpu.memory_space<vmem>>, %arg7: memref<1x256x8xi32, #tpu.memory_space<vmem>>, %arg8: memref<1x2048x1xf32, #tpu.memory_space<vmem>>, %arg9: memref<1x1xf32, #tpu.memory_space<vmem>>, %arg10: memref<1x2xf32, #tpu.memory_space<vmem>>) attributes {dimension_semantics = [#tpu.dimension_semantics<arbitrary>], iteration_bounds = array<i64: 8>, scalar_prefetch = 0 : i64, scratch_operands = 1 : i64, tpu.core_type = #tpu.core_type<tc>, window_params = [{transform_indices = @transform_0, window_bounds = array<i64: 1, 256, 8, 256>}, {pipeline_mode = #tpu.pipeline_mode<synchronous>, transform_indices = @transform_1, window_bounds = array<i64: 1024, 256>}, {pipeline_mode = #tpu.pipeline_mode<synchronous>, transform_indices = @transform_2, window_bounds = array<i64: 1, 256>}, {transform_indices = @transform_3, window_bounds = array<i64: 1, 1>}, {pipeline_mode = #tpu.pipeline_mode<synchronous>, transform_indices = @transform_4, window_bounds = array<i64: 1024, 8>}, {pipeline_mode = #tpu.pipeline_mode<synchronous>, transform_indices = @transform_5, window_bounds = array<i64: 1024, 512>}, {transform_indices = @transform_6, window_bounds = array<i64: 1, 256, 8>}, {transform_indices = @transform_7, window_bounds = array<i64: 1, 2048, 1>}, {pipeline_mode = #tpu.pipeline_mode<synchronous>, transform_indices = @transform_8, window_bounds = array<i64: 1, 1>}]} {
    %get3A = arith.constant 0 : index
    %get3A_0 = arith.constant 0 : index
    %get3A_1 = arith.constant 0 : index
    %get3A_2 = arith.constant 0 : index
    %get3A_3 = vector.load %arg1[%get3A, %get3A_0, %get3A_1, %get3A_2] : memref<1x256x8x256xf32, #tpu.memory_space<vmem>>, vector<1x256x8x256xf32>
    %get3A_4 = vector.shape_cast %get3A_3 : vector<1x256x8x256xf32> to vector<256x8x256xf32>
    %reshape3A = vector.shape_cast %get3A_4 : vector<256x8x256xf32> to vector<2048x256xf32>
    %get3A_5 = arith.constant 0 : index
    %get3A_6 = arith.constant 0 : index
    %get3A_7 = vector.load %arg3[%get3A_5, %get3A_6] : memref<1x256xf32, #tpu.memory_space<vmem>>, vector<1x256xf32>
    %get3A_8 = arith.constant 0 : index
    %get3A_9 = arith.constant 0 : index
    %get3A_10 = memref.load %arg4[%get3A_8, %get3A_9] : memref<1x1xf32, #tpu.memory_space<smem>>
    %get3A_11 = arith.constant 0 : index
    %get3A_12 = arith.constant 0 : index
    %get3A_13 = vector.load %arg2[%get3A_11, %get3A_12] : memref<1024x256xf32, #tpu.memory_space<vmem>>, vector<1024x256xf32>
    %broadcast_in_dim3A = vector.shape_cast %get3A_7 : vector<1x256xf32> to vector<1x256xf32>
    %broadcast_in_dim3A_14 = vector.broadcast %broadcast_in_dim3A : vector<1x256xf32> to vector<8x256xf32>
    %dot_general3A = arith.constant dense<0.000000e+00> : vector<2048x8xf32>
    %dot_general3A_15 = tpu.matmul %reshape3A, %broadcast_in_dim3A_14, %dot_general3A {dimension_numbers = #tpu.dot_dimension_numbers<[1], [1], [0], [0], [0, 0, 1, 0], [], []>, transpose_lhs_hint = false} : vector<2048x256xf32>, vector<8x256xf32>, vector<2048x8xf32> -> vector<2048x8xf32>
    %add3A = vector.broadcast %get3A_10 : f32 to vector<2048x8xf32>
    %add3A_16 = arith.addf %dot_general3A_15, %add3A : vector<2048x8xf32>
    %slice3A = vector.extract_strided_slice %add3A_16 {offsets = [0, 0], sizes = [2048, 1], strides = [1, 1]} : vector<2048x8xf32> to vector<2048x1xf32>
    %gt3A = arith.constant 0.000000e+00 : f32
    %gt3A_17 = vector.broadcast %gt3A : f32 to vector<2048x1xf32>
    %gt3A_18 = arith.cmpf ogt, %slice3A, %gt3A_17 : vector<2048x1xf32>
    %convert_element_type3A = arith.extui %gt3A_18 : vector<2048x1xi1> to vector<2048x1xi32>
    %convert_element_type3A_19 = arith.sitofp %convert_element_type3A : vector<2048x1xi32> to vector<2048x1xf32>
    %swap3A = arith.constant 0 : index
    %swap3A_20 = arith.constant 0 : index
    %swap3A_21 = arith.constant 0 : index
    %swap3A_22 = vector.load %arg8[%swap3A, %swap3A_20, %swap3A_21] : memref<1x2048x1xf32, #tpu.memory_space<vmem>>, vector<1x2048x1xf32>
    %swap3A_23 = vector.shape_cast %swap3A_22 : vector<1x2048x1xf32> to vector<2048x1xf32>
    %swap3A_24 = vector.shape_cast %convert_element_type3A_19 : vector<2048x1xf32> to vector<1x2048x1xf32>
    tpu.vector_store %arg8[%swap3A, %swap3A_20, %swap3A_21], %swap3A_24 {strides = array<i32>} : memref<1x2048x1xf32, #tpu.memory_space<vmem>>, vector<1x2048x1xf32>,
    %slice3A_25 = vector.extract_strided_slice %get3A_4 {offsets = [0, 0, 0], sizes = [256, 1, 256], strides = [1, 1, 1]} : vector<256x8x256xf32> to vector<256x1x256xf32>
    %squeeze3A = vector.shape_cast %slice3A_25 : vector<256x1x256xf32> to vector<256x256xf32>
    %slice3A_26 = vector.extract_strided_slice %get3A_4 {offsets = [0, 1, 0], sizes = [256, 1, 256], strides = [1, 1, 1]} : vector<256x8x256xf32> to vector<256x1x256xf32>
    %squeeze3A_27 = vector.shape_cast %slice3A_26 : vector<256x1x256xf32> to vector<256x256xf32>
    %add3A_28 = arith.addf %squeeze3A, %squeeze3A_27 : vector<256x256xf32>
    %slice3A_29 = vector.extract_strided_slice %get3A_4 {offsets = [0, 2, 0], sizes = [256, 1, 256], strides = [1, 1, 1]} : vector<256x8x256xf32> to vector<256x1x256xf32>
    %squeeze3A_30 = vector.shape_cast %slice3A_29 : vector<256x1x256xf32> to vector<256x256xf32>
    %add3A_31 = arith.addf %add3A_28, %squeeze3A_30 : vector<256x256xf32>
    %slice3A_32 = vector.extract_strided_slice %get3A_4 {offsets = [0, 3, 0], sizes = [256, 1, 256], strides = [1, 1, 1]} : vector<256x8x256xf32> to vector<256x1x256xf32>
    %squeeze3A_33 = vector.shape_cast %slice3A_32 : vector<256x1x256xf32> to vector<256x256xf32>
    %add3A_34 = arith.addf %add3A_31, %squeeze3A_33 : vector<256x256xf32>
    %slice3A_35 = vector.extract_strided_slice %get3A_4 {offsets = [0, 4, 0], sizes = [256, 1, 256], strides = [1, 1, 1]} : vector<256x8x256xf32> to vector<256x1x256xf32>
    %squeeze3A_36 = vector.shape_cast %slice3A_35 : vector<256x1x256xf32> to vector<256x256xf32>
    %add3A_37 = arith.addf %add3A_34, %squeeze3A_36 : vector<256x256xf32>
    %slice3A_38 = vector.extract_strided_slice %get3A_4 {offsets = [0, 5, 0], sizes = [256, 1, 256], strides = [1, 1, 1]} : vector<256x8x256xf32> to vector<256x1x256xf32>
    %squeeze3A_39 = vector.shape_cast %slice3A_38 : vector<256x1x256xf32> to vector<256x256xf32>
    %add3A_40 = arith.addf %add3A_37, %squeeze3A_39 : vector<256x256xf32>
    %slice3A_41 = vector.extract_strided_slice %get3A_4 {offsets = [0, 6, 0], sizes = [256, 1, 256], strides = [1, 1, 1]} : vector<256x8x256xf32> to vector<256x1x256xf32>
    %squeeze3A_42 = vector.shape_cast %slice3A_41 : vector<256x1x256xf32> to vector<256x256xf32>
    %add3A_43 = arith.addf %add3A_40, %squeeze3A_42 : vector<256x256xf32>
    %slice3A_44 = vector.extract_strided_slice %get3A_4 {offsets = [0, 7, 0], sizes = [256, 1, 256], strides = [1, 1, 1]} : vector<256x8x256xf32> to vector<256x1x256xf32>
    %squeeze3A_45 = vector.shape_cast %slice3A_44 : vector<256x1x256xf32> to vector<256x256xf32>
    %add3A_46 = arith.addf %add3A_43, %squeeze3A_45 : vector<256x256xf32>
    %mul3A = arith.constant 1.250000e-01 : f32
    %mul3A_47 = vector.broadcast %mul3A : f32 to vector<256x256xf32>
    %mul3A_48 = arith.mulf %add3A_46, %mul3A_47 : vector<256x256xf32>
    %get3A_49 = arith.constant 0 : index
    %get3A_50 = arith.constant 0 : index
    %get3A_51 = vector.load %arg5[%get3A_49, %get3A_50] : memref<1024x8xf32, #tpu.memory_space<vmem>>, vector<1024x1xf32>
    %dot_general3A_52 = arith.constant dense<0.000000e+00> : vector<1024x256xf32>
    %dot_general3A_53 = tpu.matmul %get3A_13, %mul3A_48, %dot_general3A_52 {dimension_numbers = #tpu.dot_dimension_numbers<[1], [1], [0], [0], [0, 0, 1, 0], [], []>, transpose_lhs_hint = false} : vector<1024x256xf32>, vector<256x256xf32>, vector<1024x256xf32> -> vector<1024x256xf32>
    %mul3A_54 = arith.constant 2.000000e+00 : f32
    %mul3A_55 = vector.broadcast %mul3A_54 : f32 to vector<1024x256xf32>
    %mul3A_56 = arith.mulf %mul3A_55, %dot_general3A_53 : vector<1024x256xf32>
    %sub3A = vector.broadcast %get3A_51 : vector<1024x1xf32> to vector<1024x256xf32>
    %sub3A_57 = arith.subf %sub3A, %mul3A_56 : vector<1024x256xf32>
    %iota3A = tpu.iota {dimensions = array<i32: 0>} : vector<1024x256xi32>
    %slice3A_58 = vector.extract_strided_slice %sub3A_57 {offsets = [0, 0], sizes = [512, 256], strides = [1, 1]} : vector<1024x256xf32> to vector<512x256xf32>
    %slice3A_59 = vector.extract_strided_slice %sub3A_57 {offsets = [512, 0], sizes = [512, 256], strides = [1, 1]} : vector<1024x256xf32> to vector<512x256xf32>
    %slice3A_60 = vector.extract_strided_slice %iota3A {offsets = [0, 0], sizes = [512, 256], strides = [1, 1]} : vector<1024x256xi32> to vector<512x256xi32>
    %slice3A_61 = vector.extract_strided_slice %iota3A {offsets = [512, 0], sizes = [512, 256], strides = [1, 1]} : vector<1024x256xi32> to vector<512x256xi32>
    %lt3A = arith.cmpf olt, %slice3A_59, %slice3A_58 : vector<512x256xf32>
    %select_n3A = arith.select %lt3A, %slice3A_59, %slice3A_58 : vector<512x256xi1>, vector<512x256xf32>
    %select_n3A_62 = arith.select %lt3A, %slice3A_61, %slice3A_60 : vector<512x256xi1>, vector<512x256xi32>
    %slice3A_63 = vector.extract_strided_slice %select_n3A {offsets = [0, 0], sizes = [256, 256], strides = [1, 1]} : vector<512x256xf32> to vector<256x256xf32>
    %slice3A_64 = vector.extract_strided_slice %select_n3A {offsets = [256, 0], sizes = [256, 256], strides = [1, 1]} : vector<512x256xf32> to vector<256x256xf32>
    %slice3A_65 = vector.extract_strided_slice %select_n3A_62 {offsets = [0, 0], sizes = [256, 256], strides = [1, 1]} : vector<512x256xi32> to vector<256x256xi32>
    %slice3A_66 = vector.extract_strided_slice %select_n3A_62 {offsets = [256, 0], sizes = [256, 256], strides = [1, 1]} : vector<512x256xi32> to vector<256x256xi32>
    %lt3A_67 = arith.cmpf olt, %slice3A_64, %slice3A_63 : vector<256x256xf32>
    %select_n3A_68 = arith.select %lt3A_67, %slice3A_64, %slice3A_63 : vector<256x256xi1>, vector<256x256xf32>
    %select_n3A_69 = arith.select %lt3A_67, %slice3A_66, %slice3A_65 : vector<256x256xi1>, vector<256x256xi32>
    %slice3A_70 = vector.extract_strided_slice %select_n3A_68 {offsets = [0, 0], sizes = [128, 256], strides = [1, 1]} : vector<256x256xf32> to vector<128x256xf32>
    %slice3A_71 = vector.extract_strided_slice %select_n3A_68 {offsets = [128, 0], sizes = [128, 256], strides = [1, 1]} : vector<256x256xf32> to vector<128x256xf32>
    %slice3A_72 = vector.extract_strided_slice %select_n3A_69 {offsets = [0, 0], sizes = [128, 256], strides = [1, 1]} : vector<256x256xi32> to vector<128x256xi32>
    %slice3A_73 = vector.extract_strided_slice %select_n3A_69 {offsets = [128, 0], sizes = [128, 256], strides = [1, 1]} : vector<256x256xi32> to vector<128x256xi32>
    %lt3A_74 = arith.cmpf olt, %slice3A_71, %slice3A_70 : vector<128x256xf32>
    %select_n3A_75 = arith.select %lt3A_74, %slice3A_71, %slice3A_70 : vector<128x256xi1>, vector<128x256xf32>
    %select_n3A_76 = arith.select %lt3A_74, %slice3A_73, %slice3A_72 : vector<128x256xi1>, vector<128x256xi32>
    %slice3A_77 = vector.extract_strided_slice %select_n3A_75 {offsets = [0, 0], sizes = [64, 256], strides = [1, 1]} : vector<128x256xf32> to vector<64x256xf32>
    %slice3A_78 = vector.extract_strided_slice %select_n3A_75 {offsets = [64, 0], sizes = [64, 256], strides = [1, 1]} : vector<128x256xf32> to vector<64x256xf32>
    %slice3A_79 = vector.extract_strided_slice %select_n3A_76 {offsets = [0, 0], sizes = [64, 256], strides = [1, 1]} : vector<128x256xi32> to vector<64x256xi32>
    %slice3A_80 = vector.extract_strided_slice %select_n3A_76 {offsets = [64, 0], sizes = [64, 256], strides = [1, 1]} : vector<128x256xi32> to vector<64x256xi32>
    %lt3A_81 = arith.cmpf olt, %slice3A_78, %slice3A_77 : vector<64x256xf32>
    %select_n3A_82 = arith.select %lt3A_81, %slice3A_78, %slice3A_77 : vector<64x256xi1>, vector<64x256xf32>
    %select_n3A_83 = arith.select %lt3A_81, %slice3A_80, %slice3A_79 : vector<64x256xi1>, vector<64x256xi32>
    %slice3A_84 = vector.extract_strided_slice %select_n3A_82 {offsets = [0, 0], sizes = [32, 256], strides = [1, 1]} : vector<64x256xf32> to vector<32x256xf32>
    %slice3A_85 = vector.extract_strided_slice %select_n3A_82 {offsets = [32, 0], sizes = [32, 256], strides = [1, 1]} : vector<64x256xf32> to vector<32x256xf32>
    %slice3A_86 = vector.extract_strided_slice %select_n3A_83 {offsets = [0, 0], sizes = [32, 256], strides = [1, 1]} : vector<64x256xi32> to vector<32x256xi32>
    %slice3A_87 = vector.extract_strided_slice %select_n3A_83 {offsets = [32, 0], sizes = [32, 256], strides = [1, 1]} : vector<64x256xi32> to vector<32x256xi32>
    %lt3A_88 = arith.cmpf olt, %slice3A_85, %slice3A_84 : vector<32x256xf32>
    %select_n3A_89 = arith.select %lt3A_88, %slice3A_85, %slice3A_84 : vector<32x256xi1>, vector<32x256xf32>
    %select_n3A_90 = arith.select %lt3A_88, %slice3A_87, %slice3A_86 : vector<32x256xi1>, vector<32x256xi32>
    %slice3A_91 = vector.extract_strided_slice %select_n3A_89 {offsets = [0, 0], sizes = [16, 256], strides = [1, 1]} : vector<32x256xf32> to vector<16x256xf32>
    %slice3A_92 = vector.extract_strided_slice %select_n3A_89 {offsets = [16, 0], sizes = [16, 256], strides = [1, 1]} : vector<32x256xf32> to vector<16x256xf32>
    %slice3A_93 = vector.extract_strided_slice %select_n3A_90 {offsets = [0, 0], sizes = [16, 256], strides = [1, 1]} : vector<32x256xi32> to vector<16x256xi32>
    %slice3A_94 = vector.extract_strided_slice %select_n3A_90 {offsets = [16, 0], sizes = [16, 256], strides = [1, 1]} : vector<32x256xi32> to vector<16x256xi32>
    %lt3A_95 = arith.cmpf olt, %slice3A_92, %slice3A_91 : vector<16x256xf32>
    %select_n3A_96 = arith.select %lt3A_95, %slice3A_92, %slice3A_91 : vector<16x256xi1>, vector<16x256xf32>
    %select_n3A_97 = arith.select %lt3A_95, %slice3A_94, %slice3A_93 : vector<16x256xi1>, vector<16x256xi32>
    %slice3A_98 = vector.extract_strided_slice %select_n3A_96 {offsets = [0, 0], sizes = [8, 256], strides = [1, 1]} : vector<16x256xf32> to vector<8x256xf32>
    %slice3A_99 = vector.extract_strided_slice %select_n3A_96 {offsets = [8, 0], sizes = [8, 256], strides = [1, 1]} : vector<16x256xf32> to vector<8x256xf32>
    %slice3A_100 = vector.extract_strided_slice %select_n3A_97 {offsets = [0, 0], sizes = [8, 256], strides = [1, 1]} : vector<16x256xi32> to vector<8x256xi32>
    %slice3A_101 = vector.extract_strided_slice %select_n3A_97 {offsets = [8, 0], sizes = [8, 256], strides = [1, 1]} : vector<16x256xi32> to vector<8x256xi32>
    %lt3A_102 = arith.cmpf olt, %slice3A_99, %slice3A_98 : vector<8x256xf32>
    %select_n3A_103 = arith.select %lt3A_102, %slice3A_99, %slice3A_98 : vector<8x256xi1>, vector<8x256xf32>
    %select_n3A_104 = arith.select %lt3A_102, %slice3A_101, %slice3A_100 : vector<8x256xi1>, vector<8x256xi32>
    %slice3A_105 = vector.extract_strided_slice %select_n3A_103 {offsets = [0, 0], sizes = [4, 256], strides = [1, 1]} : vector<8x256xf32> to vector<4x256xf32>
    %slice3A_106 = vector.extract_strided_slice %select_n3A_103 {offsets = [4, 0], sizes = [4, 256], strides = [1, 1]} : vector<8x256xf32> to vector<4x256xf32>
    %slice3A_107 = vector.extract_strided_slice %select_n3A_104 {offsets = [0, 0], sizes = [4, 256], strides = [1, 1]} : vector<8x256xi32> to vector<4x256xi32>
    %slice3A_108 = vector.extract_strided_slice %select_n3A_104 {offsets = [4, 0], sizes = [4, 256], strides = [1, 1]} : vector<8x256xi32> to vector<4x256xi32>
    %lt3A_109 = arith.cmpf olt, %slice3A_106, %slice3A_105 : vector<4x256xf32>
    %select_n3A_110 = arith.select %lt3A_109, %slice3A_106, %slice3A_105 : vector<4x256xi1>, vector<4x256xf32>
    %select_n3A_111 = arith.select %lt3A_109, %slice3A_108, %slice3A_107 : vector<4x256xi1>, vector<4x256xi32>
    %slice3A_112 = vector.extract_strided_slice %select_n3A_110 {offsets = [0, 0], sizes = [2, 256], strides = [1, 1]} : vector<4x256xf32> to vector<2x256xf32>
    %slice3A_113 = vector.extract_strided_slice %select_n3A_110 {offsets = [2, 0], sizes = [2, 256], strides = [1, 1]} : vector<4x256xf32> to vector<2x256xf32>
    %slice3A_114 = vector.extract_strided_slice %select_n3A_111 {offsets = [0, 0], sizes = [2, 256], strides = [1, 1]} : vector<4x256xi32> to vector<2x256xi32>
    %slice3A_115 = vector.extract_strided_slice %select_n3A_111 {offsets = [2, 0], sizes = [2, 256], strides = [1, 1]} : vector<4x256xi32> to vector<2x256xi32>
    %lt3A_116 = arith.cmpf olt, %slice3A_113, %slice3A_112 : vector<2x256xf32>
    %select_n3A_117 = arith.select %lt3A_116, %slice3A_113, %slice3A_112 : vector<2x256xi1>, vector<2x256xf32>
    %select_n3A_118 = arith.select %lt3A_116, %slice3A_115, %slice3A_114 : vector<2x256xi1>, vector<2x256xi32>
    %slice3A_119 = vector.extract_strided_slice %select_n3A_117 {offsets = [0, 0], sizes = [1, 256], strides = [1, 1]} : vector<2x256xf32> to vector<1x256xf32>
    %slice3A_120 = vector.extract_strided_slice %select_n3A_117 {offsets = [1, 0], sizes = [1, 256], strides = [1, 1]} : vector<2x256xf32> to vector<1x256xf32>
    %slice3A_121 = vector.extract_strided_slice %select_n3A_118 {offsets = [0, 0], sizes = [1, 256], strides = [1, 1]} : vector<2x256xi32> to vector<1x256xi32>
    %slice3A_122 = vector.extract_strided_slice %select_n3A_118 {offsets = [1, 0], sizes = [1, 256], strides = [1, 1]} : vector<2x256xi32> to vector<1x256xi32>
    %lt3A_123 = arith.cmpf olt, %slice3A_120, %slice3A_119 : vector<1x256xf32>
    %select_n3A_124 = arith.select %lt3A_123, %slice3A_122, %slice3A_121 : vector<1x256xi1>, vector<1x256xi32>
    %iota3A_125 = tpu.iota {dimensions = array<i32: 0>} : vector<1024x256xi32>
    %eq3A = vector.broadcast %select_n3A_124 : vector<1x256xi32> to vector<1024x256xi32>
    %eq3A_126 = arith.cmpi eq, %iota3A_125, %eq3A : vector<1024x256xi32>
    %convert_element_type3A_127 = arith.extui %eq3A_126 : vector<1024x256xi1> to vector<1024x256xi32>
    %convert_element_type3A_128 = arith.sitofp %convert_element_type3A_127 : vector<1024x256xi32> to vector<1024x256xf32>
    %get3A_129 = arith.constant 0 : index
    %get3A_130 = arith.constant 0 : index
    %get3A_131 = vector.load %arg6[%get3A_129, %get3A_130] : memref<1024x512xf32, #tpu.memory_space<vmem>>, vector<1024x512xf32>
    %dot_general3A_132 = arith.constant dense<0.000000e+00> : vector<256x512xf32>
    %dot_general3A_133 = tpu.matmul %convert_element_type3A_128, %get3A_131, %dot_general3A_132 {dimension_numbers = #tpu.dot_dimension_numbers<[0], [0], [1], [1], [0, 1, 1, 1], [], []>, transpose_lhs_hint = false} : vector<1024x256xf32>, vector<1024x512xf32>, vector<256x512xf32> -> vector<256x512xf32>
    %slice3A_134 = vector.extract_strided_slice %dot_general3A_133 {offsets = [0, 0], sizes = [256, 256], strides = [1, 1]} : vector<256x512xf32> to vector<256x256xf32>
    %slice3A_135 = vector.extract_strided_slice %dot_general3A_133 {offsets = [0, 256], sizes = [256, 256], strides = [1, 1]} : vector<256x512xf32> to vector<256x256xf32>
    %add3A_136 = arith.addf %slice3A_134, %slice3A_135 : vector<256x256xf32>
    %iota3A_137 = tpu.iota {dimensions = array<i32: 0>} : vector<1024x1xi32>
    %jit3A = arith.constant 32 : i32
    %div3A = vector.broadcast %jit3A : i32 to vector<1024x1xi32>
    %div3A_138 = arith.divsi %iota3A_137, %div3A : vector<1024x1xi32>
    %sign3A = arith.constant 0 : i32
    %sign3A_139 = vector.broadcast %sign3A : i32 to vector<1024x1xi32>
    %sign3A_140 = arith.cmpi sgt, %iota3A_137, %sign3A_139 : vector<1024x1xi32>
    %sign3A_141 = arith.extui %sign3A_140 : vector<1024x1xi1> to vector<1024x1xi32>
    %sign3A_142 = arith.constant 0 : i32
    %sign3A_143 = vector.broadcast %sign3A_142 : i32 to vector<1024x1xi32>
    %sign3A_144 = arith.cmpi slt, %iota3A_137, %sign3A_143 : vector<1024x1xi32>
    %sign3A_145 = arith.extui %sign3A_144 : vector<1024x1xi1> to vector<1024x1xi32>
    %sign3A_146 = arith.subi %sign3A_141, %sign3A_145 : vector<1024x1xi32>
    %sign3A_147 = arith.constant 0 : i32
    %sign3A_148 = arith.cmpi sgt, %jit3A, %sign3A_147 : i32
    %sign3A_149 = arith.extui %sign3A_148 : i1 to i32
    %sign3A_150 = arith.constant 0 : i32
    %sign3A_151 = arith.cmpi slt, %jit3A, %sign3A_150 : i32
    %sign3A_152 = arith.extui %sign3A_151 : i1 to i32
    %sign3A_153 = arith.subi %sign3A_149, %sign3A_152 : i32
    %ne3A = vector.broadcast %sign3A_153 : i32 to vector<1024x1xi32>
    %ne3A_154 = arith.cmpi ne, %sign3A_146, %ne3A : vector<1024x1xi32>
    %rem3A = vector.broadcast %jit3A : i32 to vector<1024x1xi32>
    %rem3A_155 = arith.remsi %iota3A_137, %rem3A : vector<1024x1xi32>
    %ne3A_156 = arith.constant 0 : i32
    %ne3A_157 = vector.broadcast %ne3A_156 : i32 to vector<1024x1xi32>
    %ne3A_158 = arith.cmpi ne, %rem3A_155, %ne3A_157 : vector<1024x1xi32>
    %and3A = arith.andi %ne3A_154, %ne3A_158 : vector<1024x1xi1>
    %sub3A_159 = arith.constant 1 : i32
    %sub3A_160 = vector.broadcast %sub3A_159 : i32 to vector<1024x1xi32>
    %sub3A_161 = arith.subi %div3A_138, %sub3A_160 : vector<1024x1xi32>
    %select_n3A_162 = arith.select %and3A, %sub3A_161, %div3A_138 : vector<1024x1xi1>, vector<1024x1xi32>
    %mul3A_163 = arith.constant 32 : i32
    %mul3A_164 = vector.broadcast %mul3A_163 : i32 to vector<1024x1xi32>
    %mul3A_165 = arith.muli %select_n3A_162, %mul3A_164 : vector<1024x1xi32>
    %convert_element_type3A_166 = arith.sitofp %mul3A_165 : vector<1024x1xi32> to vector<1024x1xf32>
    %jit3A_167 = arith.constant 32 : i32
    %eq3A_168 = arith.constant 0 : i32
    %eq3A_169 = arith.cmpi eq, %jit3A_167, %eq3A_168 : i32
    %jit3A_170 = arith.constant 1 : i32
    %select_n3A_171 = arith.select %eq3A_169, %jit3A_170, %jit3A_167 : i32
    %rem3A_172 = vector.broadcast %select_n3A_171 : i32 to vector<1024x1xi32>
    %rem3A_173 = arith.remsi %iota3A_137, %rem3A_172 : vector<1024x1xi32>
    %ne3A_174 = arith.constant 0 : i32
    %ne3A_175 = vector.broadcast %ne3A_174 : i32 to vector<1024x1xi32>
    %ne3A_176 = arith.cmpi ne, %rem3A_173, %ne3A_175 : vector<1024x1xi32>
    %lt3A_177 = arith.constant 0 : i32
    %lt3A_178 = vector.broadcast %lt3A_177 : i32 to vector<1024x1xi32>
    %lt3A_179 = arith.cmpi slt, %rem3A_173, %lt3A_178 : vector<1024x1xi32>
    %lt3A_180 = arith.constant 0 : i32
    %lt3A_181 = arith.cmpi slt, %select_n3A_171, %lt3A_180 : i32
    %ne3A_182 = vector.broadcast %lt3A_181 : i1 to vector<1024x1xi1>
    %ne3A_183 = vector.broadcast %ne3A_182 : vector<1024x1xi1> to vector<1024x1xi1>
    %ne3A_184 = arith.xori %lt3A_179, %ne3A_183 : vector<1024x1xi1>
    %and3A_185 = arith.andi %ne3A_184, %ne3A_176 : vector<1024x1xi1>
    %add3A_186 = vector.broadcast %select_n3A_171 : i32 to vector<1024x1xi32>
    %add3A_187 = arith.addi %rem3A_173, %add3A_186 : vector<1024x1xi32>
    %select_n3A_188 = arith.select %and3A_185, %add3A_187, %rem3A_173 : vector<1024x1xi1>, vector<1024x1xi32>
    %convert_element_type3A_189 = arith.sitofp %select_n3A_188 : vector<1024x1xi32> to vector<1024x1xf32>
    %broadcast_in_dim3A_190 = vector.shape_cast %convert_element_type3A_166 : vector<1024x1xf32> to vector<1024x1xf32>
    %broadcast_in_dim3A_191 = vector.broadcast %broadcast_in_dim3A_190 : vector<1024x1xf32> to vector<1024x8xf32>
    %broadcast_in_dim3A_192 = vector.shape_cast %convert_element_type3A_189 : vector<1024x1xf32> to vector<1024x1xf32>
    %broadcast_in_dim3A_193 = vector.broadcast %broadcast_in_dim3A_192 : vector<1024x1xf32> to vector<1024x8xf32>
    %concatenate3A = tpu.concatenate %broadcast_in_dim3A_191, %broadcast_in_dim3A_193 in 1 : vector<1024x8xf32>, vector<1024x8xf32> -> vector<1024x16xf32>
    %dot_general3A_194 = arith.constant dense<0.000000e+00> : vector<256x16xf32>
    %dot_general3A_195 = tpu.matmul %convert_element_type3A_128, %concatenate3A, %dot_general3A_194 {dimension_numbers = #tpu.dot_dimension_numbers<[0], [0], [1], [1], [0, 1, 1, 1], [], []>, transpose_lhs_hint = false} : vector<1024x256xf32>, vector<1024x16xf32>, vector<256x16xf32> -> vector<256x16xf32>
    %slice3A_196 = vector.extract_strided_slice %dot_general3A_195 {offsets = [0, 0], sizes = [256, 1], strides = [1, 1]} : vector<256x16xf32> to vector<256x1xf32>
    %slice3A_197 = vector.extract_strided_slice %dot_general3A_195 {offsets = [0, 8], sizes = [256, 1], strides = [1, 1]} : vector<256x16xf32> to vector<256x1xf32>
    %add3A_198 = arith.addf %slice3A_196, %slice3A_197 : vector<256x1xf32>
    %convert_element_type3A_199 = arith.fptosi %add3A_198 : vector<256x1xf32> to vector<256x1xi32>
    %broadcast_in_dim3A_200 = vector.shape_cast %convert_element_type3A_199 : vector<256x1xi32> to vector<256x1xi32>
    %broadcast_in_dim3A_201 = vector.broadcast %broadcast_in_dim3A_200 : vector<256x1xi32> to vector<256x8xi32>
    %swap3A_202 = arith.constant 0 : index
    %swap3A_203 = arith.constant 0 : index
    %swap3A_204 = arith.constant 0 : index
    %swap3A_205 = vector.load %arg7[%swap3A_202, %swap3A_203, %swap3A_204] : memref<1x256x8xi32, #tpu.memory_space<vmem>>, vector<1x256x8xi32>
    %swap3A_206 = vector.shape_cast %swap3A_205 : vector<1x256x8xi32> to vector<256x8xi32>
    %swap3A_207 = vector.shape_cast %broadcast_in_dim3A_201 : vector<256x8xi32> to vector<1x256x8xi32>
    tpu.vector_store %arg7[%swap3A_202, %swap3A_203, %swap3A_204], %swap3A_207 {strides = array<i32>} : memref<1x256x8xi32, #tpu.memory_space<vmem>>, vector<1x256x8xi32>,
    %sub3A_208 = arith.subf %add3A_136, %mul3A_48 : vector<256x256xf32>
    %integer_pow3A = arith.mulf %sub3A_208, %sub3A_208 : vector<256x256xf32>
    %broadcast_in_dim3A_209 = arith.constant 1.000000e+00 : f32
    %broadcast_in_dim3A_210 = vector.broadcast %broadcast_in_dim3A_209 : f32 to vector<8x256xf32>
    %dot_general3A_211 = arith.constant dense<0.000000e+00> : vector<8x256xf32>
    %dot_general3A_212 = tpu.matmul %broadcast_in_dim3A_210, %integer_pow3A, %dot_general3A_211 {dimension_numbers = #tpu.dot_dimension_numbers<[1], [0], [0], [1], [0, 0, 1, 1], [], []>, transpose_lhs_hint = false} : vector<8x256xf32>, vector<256x256xf32>, vector<8x256xf32> -> vector<8x256xf32>
    %broadcast_in_dim3A_213 = arith.constant 1.000000e+00 : f32
    %broadcast_in_dim3A_214 = vector.broadcast %broadcast_in_dim3A_213 : f32 to vector<256x8xf32>
    %dot_general3A_215 = arith.constant dense<0.000000e+00> : vector<8x8xf32>
    %dot_general3A_216 = tpu.matmul %dot_general3A_212, %broadcast_in_dim3A_214, %dot_general3A_215 {dimension_numbers = #tpu.dot_dimension_numbers<[1], [0], [0], [1], [0, 0, 1, 1], [], []>, transpose_lhs_hint = false} : vector<8x256xf32>, vector<256x8xf32>, vector<8x8xf32> -> vector<8x8xf32>
    %slice3A_217 = vector.extract_strided_slice %dot_general3A_216 {offsets = [0, 0], sizes = [1, 1], strides = [1, 1]} : vector<8x8xf32> to vector<1x1xf32>
    %broadcast_in_dim3A_218 = arith.constant 1.000000e+00 : f32
    %broadcast_in_dim3A_219 = vector.broadcast %broadcast_in_dim3A_218 : f32 to vector<8x2048xf32>
    %broadcast_in_dim3A_220 = vector.shape_cast %convert_element_type3A_19 : vector<2048x1xf32> to vector<2048x1xf32>
    %broadcast_in_dim3A_221 = vector.broadcast %broadcast_in_dim3A_220 : vector<2048x1xf32> to vector<2048x8xf32>
    %dot_general3A_222 = arith.constant dense<0.000000e+00> : vector<8x8xf32>
    %dot_general3A_223 = tpu.matmul %broadcast_in_dim3A_219, %broadcast_in_dim3A_221, %dot_general3A_222 {dimension_numbers = #tpu.dot_dimension_numbers<[1], [0], [0], [1], [0, 0, 1, 1], [], []>, transpose_lhs_hint = false} : vector<8x2048xf32>, vector<2048x8xf32>, vector<8x8xf32> -> vector<8x8xf32>
    %slice3A_224 = vector.extract_strided_slice %dot_general3A_223 {offsets = [0, 0], sizes = [1, 1], strides = [1, 1]} : vector<8x8xf32> to vector<1x1xf32>
    %eq3A_225 = arith.constant 0 : i32
    %eq3A_226 = arith.cmpi eq, %arg0, %eq3A_225 : i32
    %convert_element_type3A_227 = arith.extui %eq3A_226 : i1 to i32
    %cond3A = arith.constant 0 : i32
    %cond3A_228 = arith.cmpi ne, %convert_element_type3A_227, %cond3A : i32
    scf.if %cond3A_228 {
      %swap3A_239 = arith.constant 0 : index
      %swap3A_240 = arith.constant 0 : index
      %swap3A_241 = vector.load %arg10[%swap3A_239, %swap3A_240] : memref<1x2xf32, #tpu.memory_space<vmem>>, vector<1x1xf32>
      tpu.vector_store %arg10[%swap3A_239, %swap3A_240], %slice3A_217 {strides = array<i32>} : memref<1x2xf32, #tpu.memory_space<vmem>>, vector<1x1xf32>,
      %swap3A_242 = arith.constant 0 : index
      %swap3A_243 = arith.constant 1 : index
      %swap3A_244 = vector.load %arg10[%swap3A_242, %swap3A_243] : memref<1x2xf32, #tpu.memory_space<vmem>>, vector<1x1xf32>
      tpu.vector_store %arg10[%swap3A_242, %swap3A_243], %slice3A_224 {strides = array<i32>} : memref<1x2xf32, #tpu.memory_space<vmem>>, vector<1x1xf32>,
    } else {
    }
    %gt3A_229 = arith.constant 0 : i32
    %gt3A_230 = arith.cmpi sgt, %arg0, %gt3A_229 : i32
    %convert_element_type3A_231 = arith.extui %gt3A_230 : i1 to i32
    %cond3A_232 = arith.constant 0 : i32
    %cond3A_233 = arith.cmpi ne, %convert_element_type3A_231, %cond3A_232 : i32
    scf.if %cond3A_233 {
      %get3A_239 = arith.constant 0 : index
      %get3A_240 = arith.constant 0 : index
      %get3A_241 = vector.load %arg10[%get3A_239, %get3A_240] : memref<1x2xf32, #tpu.memory_space<vmem>>, vector<1x1xf32>
      %add3A_242 = arith.addf %get3A_241, %slice3A_217 : vector<1x1xf32>
      %swap3A_243 = arith.constant 0 : index
      %swap3A_244 = arith.constant 0 : index
      %swap3A_245 = vector.load %arg10[%swap3A_243, %swap3A_244] : memref<1x2xf32, #tpu.memory_space<vmem>>, vector<1x1xf32>
      tpu.vector_store %arg10[%swap3A_243, %swap3A_244], %add3A_242 {strides = array<i32>} : memref<1x2xf32, #tpu.memory_space<vmem>>, vector<1x1xf32>,
      %get3A_246 = arith.constant 0 : index
      %get3A_247 = arith.constant 1 : index
      %get3A_248 = vector.load %arg10[%get3A_246, %get3A_247] : memref<1x2xf32, #tpu.memory_space<vmem>>, vector<1x1xf32>
      %add3A_249 = arith.addf %get3A_248, %slice3A_224 : vector<1x1xf32>
      %swap3A_250 = arith.constant 0 : index
      %swap3A_251 = arith.constant 1 : index
      %swap3A_252 = vector.load %arg10[%swap3A_250, %swap3A_251] : memref<1x2xf32, #tpu.memory_space<vmem>>, vector<1x1xf32>
      tpu.vector_store %arg10[%swap3A_250, %swap3A_251], %add3A_249 {strides = array<i32>} : memref<1x2xf32, #tpu.memory_space<vmem>>, vector<1x1xf32>,
    } else {
    }
    %eq3A_234 = arith.constant 7 : i32
    %eq3A_235 = arith.cmpi eq, %arg0, %eq3A_234 : i32
    %convert_element_type3A_236 = arith.extui %eq3A_235 : i1 to i32
    %cond3A_237 = arith.constant 0 : i32
    %cond3A_238 = arith.cmpi ne, %convert_element_type3A_236, %cond3A_237 : i32
    scf.if %cond3A_238 {
      %get3A_239 = arith.constant 0 : index
      %get3A_240 = arith.constant 0 : index
      %get3A_241 = vector.load %arg10[%get3A_239, %get3A_240] : memref<1x2xf32, #tpu.memory_space<vmem>>, vector<1x1xf32>
      %mul3A_242 = arith.constant 1.90734863E-6 : f32
      %mul3A_243 = vector.broadcast %mul3A_242 : f32 to vector<1x1xf32>
      %mul3A_244 = arith.mulf %get3A_241, %mul3A_243 : vector<1x1xf32>
      %get3A_245 = arith.constant 0 : index
      %get3A_246 = arith.constant 1 : index
      %get3A_247 = vector.load %arg10[%get3A_245, %get3A_246] : memref<1x2xf32, #tpu.memory_space<vmem>>, vector<1x1xf32>
      %mul3A_248 = arith.constant 6.10351563E-5 : f32
      %mul3A_249 = vector.broadcast %mul3A_248 : f32 to vector<1x1xf32>
      %mul3A_250 = arith.mulf %get3A_247, %mul3A_249 : vector<1x1xf32>
      %mul3A_251 = arith.constant 2.500000e-01 : f32
      %mul3A_252 = vector.broadcast %mul3A_251 : f32 to vector<1x1xf32>
      %mul3A_253 = arith.mulf %mul3A_252, %mul3A_244 : vector<1x1xf32>
      %sub3A_254 = arith.constant 1.250000e-01 : f32
      %sub3A_255 = vector.broadcast %sub3A_254 : f32 to vector<1x1xf32>
      %sub3A_256 = arith.subf %mul3A_250, %sub3A_255 : vector<1x1xf32>
      %integer_pow3A_257 = arith.mulf %sub3A_256, %sub3A_256 : vector<1x1xf32>
      %mul3A_258 = arith.constant 0.00999999977 : f32
      %mul3A_259 = vector.broadcast %mul3A_258 : f32 to vector<1x1xf32>
      %mul3A_260 = arith.mulf %mul3A_259, %integer_pow3A_257 : vector<1x1xf32>
      %add3A_261 = arith.addf %mul3A_253, %mul3A_260 : vector<1x1xf32>
      %swap3A_262 = arith.constant 0 : index
      %swap3A_263 = arith.constant 0 : index
      %swap3A_264 = vector.load %arg9[%swap3A_262, %swap3A_263] : memref<1x1xf32, #tpu.memory_space<vmem>>, vector<1x1xf32>
      tpu.vector_store %arg9[%swap3A_262, %swap3A_263], %add3A_261 {strides = array<i32>} : memref<1x1xf32, #tpu.memory_space<vmem>>, vector<1x1xf32>,
    } else {
    }
    return
  }
  func.func @transform_0(%arg0: i32) -> (i32, i32, i32, i32) {
    %c0_i32 = arith.constant 0 : i32
    %c0_i32_0 = arith.constant 0 : i32
    %c0_i32_1 = arith.constant 0 : i32
    %c0_i32_2 = arith.constant 0 : i32
    return %arg0, %c0_i32, %c0_i32_0, %c0_i32_1 : i32, i32, i32, i32
  }
  func.func @transform_1(%arg0: i32) -> (i32, i32) {
    %c0_i32 = arith.constant 0 : i32
    %c0_i32_0 = arith.constant 0 : i32
    %c0_i32_1 = arith.constant 0 : i32
    return %c0_i32, %c0_i32_0 : i32, i32
  }
  func.func @transform_2(%arg0: i32) -> (i32, i32) {
    %c0_i32 = arith.constant 0 : i32
    %c0_i32_0 = arith.constant 0 : i32
    %c0_i32_1 = arith.constant 0 : i32
    return %c0_i32, %c0_i32_0 : i32, i32
  }
  func.func @transform_3(%arg0: i32) -> (i32, i32) {
    %c0_i32 = arith.constant 0 : i32
    %c0_i32_0 = arith.constant 0 : i32
    %c0_i32_1 = arith.constant 0 : i32
    return %c0_i32, %c0_i32_0 : i32, i32
  }
  func.func @transform_4(%arg0: i32) -> (i32, i32) {
    %c0_i32 = arith.constant 0 : i32
    %c0_i32_0 = arith.constant 0 : i32
    %c0_i32_1 = arith.constant 0 : i32
    return %c0_i32, %c0_i32_0 : i32, i32
  }
  func.func @transform_5(%arg0: i32) -> (i32, i32) {
    %c0_i32 = arith.constant 0 : i32
    %c0_i32_0 = arith.constant 0 : i32
    %c0_i32_1 = arith.constant 0 : i32
    return %c0_i32, %c0_i32_0 : i32, i32
  }
  func.func @transform_6(%arg0: i32) -> (i32, i32, i32) {
    %c0_i32 = arith.constant 0 : i32
    %c0_i32_0 = arith.constant 0 : i32
    %c0_i32_1 = arith.constant 0 : i32
    return %arg0, %c0_i32, %c0_i32_0 : i32, i32, i32
  }
  func.func @transform_7(%arg0: i32) -> (i32, i32, i32) {
    %c0_i32 = arith.constant 0 : i32
    %c0_i32_0 = arith.constant 0 : i32
    %c0_i32_1 = arith.constant 0 : i32
    return %arg0, %c0_i32, %c0_i32_0 : i32, i32, i32
  }
  func.func @transform_8(%arg0: i32) -> (i32, i32) {
    %c0_i32 = arith.constant 0 : i32
    %c0_i32_0 = arith.constant 0 : i32
    %c0_i32_1 = arith.constant 0 : i32
    return %c0_i32, %c0_i32_0 : i32, i32
  }
}

</mosaic_0001>

<sc_bundles>
// kernel: kernel.5.cloned.1.call-start
scs
__scs_entry_jumppad:
0x0: {  	(pc) =	sbr.rel $0x88, $3  }
0x1: {  	(tag) =	ssettag $0x0;
	lr =	simm.s32 $0x1  }
0x2: {  	[smem:$0x3F9D] =	sst lr;
	_ =	strace $0xD0000000  }
0x3: {  	_ = 	snop  }
0x4: {  	_ = 	snop  }
0x5: {  	_ = 	snop  }
0x6: {  	_ = 	snop  }
0x7: {  	_ = 	snop  }
__scs_overlays_trampoline_lowered:
0x8: {  	[smem:$0x3FAC] =	sst s0  }
0x9: {  	[smem:$0x3FAD] =	sst s1  }
0xa: {  	[smem:$0x3FAE] =	sst s2  }
0xb: {  	[smem:$0x3FAF] =	sst s3  }
0xc: {  	[smem:$0x3FB0] =	sst s4  }
0xd: {  	[smem:$0x3FB1] =	sst s5  }
0xe: {  	[smem:$0x3FB2] =	sst s6  }
0xf: {  	[smem:$0x3FB3] =	sst s7  }
0x10: {  	[smem:$0x3FB4] =	sst s8  }
0x11: {  	[smem:$0x3FB5] =	sst s9;
	s0 =	simm.s32 @!p0 $0x0  }
0x12: {  	s1 =	sld [smem:$0x3F9B];
	s0 =	simm.s32 @p0 $0x1  }
0x13: {  	[smem:$0x3FB6] =	sst s0;
	s0 =	simm.s32 @!p1 $0x0  }
0x14: {  	s2 =	sld [smem:$0x3F9A];
	s0 =	simm.s32 @p1 $0x1  }
0x15: {  	[smem:$0x3FB7] =	sst s0;
	s0 =	simm.s32 @!p2 $0x0  }
0x16: {  	s3 =	sld [smem:$0x3FDB];
	s0 =	simm.s32 @p2 $0x1  }
0x17: {  	s4 =	simm.s32 $0x1BF5;
	[smem:$0x3FB9] =	sst s0  }
0x18: {  	s0 =	sld [smem:$0x3F9C];
	_ =	swait.ge [sflag:s4], $0x0  }
0x19: {  	s7 =	sld [smem:$0x3F9D]  }
0x1a: {  	s8 =	sadd.s32 $0xFFFFE003, lr  }
0x1b: {  	s9 =	sadd.s32 $0xFFFFFEF7, lr;
	s5 =	simm.s32 $0xFFFFFFFF;
	p2 =	slt.u32 s8, $0xFFFFF086  }
0x1c: {  	p1 =	slt.u32 s9, $0xF7A;
	s5 =	simm.s32 @!p2 $0x0  }
0x1d: {  	s5 =	simm.s32 @p1 $0x1;
	p0 =	seq.s32 s7, s2  }
0x1e: {  	s7 =	smul.u32 @!p0 $0xF7A, s2;
	p2 =	seq.s32 @!p0 s5, $0x0  }
0x1f: {  	s9 =	smul.u32 $0xF7A, s1;
	s8 =	simm.s32 @!p0 $0x1BF5;
	p2 =	por !p2, p0  }
0x20: {  	[sflag:s8] =	ssyncset.s32 @!p0 $0xFFFFF086;
	s6 =	sadd.s32 @!p0 s3, s7;
	s7 =	simm.s32 @!p0 $0x108  }
0x21: {  	s3 =	sadd.s32 s3, s9;
	s6 =	sadd.s32 @!p0 $0x88, s6;
	s7 =	simm.s32 @p2 $0x1082  }
0x22: {  	[simem:s7], [sflag:s8] =	dma.local @!p0 [hbm:s6], $0xF7A  }
0x23: {  	s9 =	sor.u32 $0xD0000000, s2;
	s6 =	simm.s32 $0x108;
	_ =	swait.ge @!p0 [sflag:s8], $0x0  }
0x24: {  	s3 =	sadd.s32 $0x88, s3;
	s6 =	simm.s32 @!p1 $0x1082;
	[sflag:s4] =	ssyncset.s32 $0xFFFFF086  }
0x25: {  	[simem:s6], [sflag:s4] =	dma.local [hbm:s3], $0xF7A  }
0x26: {  	[smem:$0x3F9D] =	sst s1;
	(tag) =	ssettag s2;
	_ =	strace s9  }
0x27: {  	s1 =	sld [smem:$0x3FAD]  }
0x28: {  	s2 =	sld [smem:$0x3FAE]  }
0x29: {  	s4 =	sld [smem:$0x3FB0]  }
0x2a: {  	p0 =	seq.s32 s5, $0x0;
	s5 =	sld [smem:$0x3FB1]  }
0x2b: {  	s6 =	sld [smem:$0x3FB2]  }
0x2c: {  	s7 =	sld [smem:$0x3FB3]  }
0x2d: {  	s3 =	simm.s32 $0x108;
	s8 =	sld [smem:$0x3FB4]  }
0x2e: {  	s3 =	simm.s32 @!p0 $0x1082;
	s9 =	sld [smem:$0x3FB5]  }
0x2f: {  	lr =	sadd.s32 s0, s3;
	s0 =	sld [smem:$0x3FAC]  }
0x30: {  	s3 =	sld [smem:$0x3FAF]  }
0x31: {  	[smem:$0x3FB8] =	sst s10  }
0x32: {  	s10 =	sld [smem:$0x3FB6];
	_ =	sdelay $0x3  }
0x33: {  	p0 =	seq.s32 s10, $0x1;
	s10 =	sld [smem:$0x3FB8];
	_ =	sdelay $0x3  }
0x34: {  	[smem:$0x3FB8] =	sst s10  }
0x35: {  	s10 =	sld [smem:$0x3FB7];
	_ =	sdelay $0x3  }
0x36: {  	p1 =	seq.s32 s10, $0x1;
	s10 =	sld [smem:$0x3FB8];
	_ =	sdelay $0x3  }
0x37: {  	[smem:$0x3FB8] =	sst s10  }
0x38: {  	s10 =	sld [smem:$0x3FB9]  }
0x39: {  	_ = 	snop;
	(pc) =	sbr.ind lr, $3  }
0x3a: {  	_ = 	snop  }
0x3b: {  	_ = 	snop  }
0x3c: {  	p2 =	seq.s32 s10, $0x1;
	s10 =	sld [smem:$0x3FB8]  }
0x3d: {  	_ =	shalt  }
0x3e: {  	_ =	shalt  }
0x3f: {  	_ =	shalt  }
0x40: {  	_ =	shalt  }
0x41: {  	_ =	shalt  }
0x42: {  	_ =	shalt  }
0x43: {  	_ =	shalt  }
0x44: {  	_ =	shalt  }
0x45: {  	_ =	shalt  }
0x46: {  	_ =	shalt  }
0x47: {  	_ =	shalt  }
0x48: {  	_ =	shalt  }
0x49: {  	_ =	shalt  }
0x4a: {  	_ =	shalt  }
0x4b: {  	_ =	shalt  }
0x4c: {  	_ =	shalt  }
0x4d: {  	_ =	shalt  }
0x4e: {  	_ =	shalt  }
0x4f: {  	_ =	shalt  }
0x50: {  	_ =	shalt  }
0x51: {  	_ =	shalt  }
0x52: {  	_ =	shalt  }
0x53: {  	_ =	shalt  }
0x54: {  	_ =	shalt  }
0x55: {  	_ =	shalt  }
0x56: {  	_ =	shalt  }
0x57: {  	_ =	shalt  }
0x58: {  	_ =	shalt  }
0x59: {  	_ =	shalt  }
0x5a: {  	_ =	shalt  }
0x5b: {  	_ =	shalt  }
0x5c: {  	_ =	shalt  }
0x5d: {  	_ =	shalt  }
0x5e: {  	_ =	shalt  }
0x5f: {  	_ =	shalt  }
0x60: {  	_ =	shalt  }
0x61: {  	_ =	shalt  }
0x62: {  	_ =	shalt  }
0x63: {  	_ =	shalt  }
0x64: {  	_ =	shalt  }
0x65: {  	_ =	shalt  }
0x66: {  	_ =	shalt  }
0x67: {  	_ =	shalt  }
0x68: {  	_ =	shalt  }
0x69: {  	_ =	shalt  }
0x6a: {  	_ =	shalt  }
0x6b: {  	_ =	shalt  }
0x6c: {  	_ =	shalt  }
0x6d: {  	_ =	shalt  }
0x6e: {  	_ =	shalt  }
0x6f: {  	_ =	shalt  }
0x70: {  	_ =	shalt  }
0x71: {  	_ =	shalt  }
0x72: {  	_ =	shalt  }
0x73: {  	_ =	shalt  }
0x74: {  	_ =	shalt  }
0x75: {  	_ =	shalt  }
0x76: {  	_ =	shalt  }
0x77: {  	_ =	shalt  }
0x78: {  	_ =	shalt  }
0x79: {  	_ =	shalt  }
0x7a: {  	_ =	shalt  }
0x7b: {  	_ =	shalt  }
0x7c: {  	_ =	shalt  }
0x7d: {  	_ =	shalt  }
0x7e: {  	_ =	shalt  }
0x7f: {  	_ =	shalt  }
0x80: {  	_ =	shalt  }
0x81: {  	_ =	shalt  }
0x82: {  	_ =	shalt  }
0x83: {  	_ =	shalt  }
0x84: {  	_ =	shalt  }
0x85: {  	_ =	shalt  }
0x86: {  	_ =	shalt  }
0x87: {  	_ =	shalt  }
.Lfunc_end0:
.L_simem_size_0:
called_computation_lowered:
.L_overlay_start_0:
0x88: {  	s2 =	sld [smem:$0x3FD9]  }
0x89: {  	s3 =	sld [smem:$0x3FFE];
	_ =	sdelay $0x1  }
0x8a: {  	s1 =	srdreg.scid  }
0x8b: {  	s0 =	sand.u32 $0x1, s1  }
0x8c: {  	s14 =	sshll.u32 s0, $0xA;
	s2 =	sadd.s32 s3, s2  }
0x8d: {  	s2 =	sadd.s32 s2, s14  }
0x8e: {  	[smem:$0x3FC4] =	sst s2  }
0x8f: {  	_ = 	snop  }
0x90: {  	s2 =	sld [smem:$0x3FD0];
	_ =	sdelay $0x2  }
0x91: {  	s4 =	simm.s32 $0xA;
	s5 =	simm.s32 $0x10;
	s15 =	sld [smem:$0x3FC8]  }
0x92: {  	[smem:s5], [sflag:s4] =	dma.local [hbm:s2], $0x1  }
0x93: {  	_ =	swait.eq [sflag:s4], $0x1  }
0x94: {  	[sflag:s4] =	ssyncset.done $0x0  }
0x95: {  	[sflag:s4] =	ssyncadd.s32 $0xFFFFFFFF  }
0x96: {  	s16 =	sld [smem:$0x10];
	(tm) =	ssettm $0x1  }
0x97: {  	s17 =	sld [smem:$0x3FFB];
	_ =	sdelay $0x3  }
0x98: {  	_ =	strace s17  }
0x99: {  	s4 =	sld [smem:$0x3FFC];
	_ =	sdelay $0x3  }
0x9a: {  	_ =	strace s4  }
0x9b: {  	s4 =	sld [smem:$0x3FFD];
	_ =	sdelay $0x3  }
0x9c: {  	_ =	strace s4  }
0x9d: {  	_ =	strace $0x8FFFFFFF  }
0x9e: {  	s18 =	sld [smem:$0x3FDB];
	_ =	sdelay $0x1  }
0x9f: {  	s19 =	simm.s32 $_scs_section_size  }
0xa0: {  	s6 =	simm.s32 $_size__tile_overlayer_lowered;
	s7 =	simm.s32 $_tile_overlayer_lowered  }
0xa1: {  	s22 =	simm.s32 $0x1BFF;
	s21 =	sshll.u32 s7, $0x1;
	s4 =	sadd.s32 s19, s18  }
0xa2: {  	s8 =	simm.s32 $0x0;
	s20 =	sshll.u32 s6, $0x1;
	s6 =	sadd.s32 s21, s4  }
0xa3: {  	[timem:s8], [sflag:s22] =	dma.local [hbm:s6], s20  }
0xa4: {  	_ =	swait.ge [sflag:s22], s20  }
0xa5: {  	s5 =	ssub.s32 $0x0, s20;
	[sflag:s22] =	ssyncset.done $0x0  }
0xa6: {  	[sflag:s22] =	ssyncadd.s32 s5;
	_ =	sdelay $0x1  }
0xa7: {  	s23 =	simm.s32 $0x1B8B  }
0xa8: {  	_ =	swait.ge [sflag:s23], $0x1  }
0xa9: {  	[sflag:s23] =	ssyncset.done $0x0  }
0xaa: {  	s25 =	simm.s32 $0x1B8E;
	s24 =	sld [smem:$0x3FFE];
	[sflag:s23] =	ssyncadd.s32 $0xFFFFFFFF  }
0xab: {  	s26 =	simm.s32 $execute0_lowered;
	[smem:$0x3FD2] =	sst s25  }
0xac: {  	s6 =	sshll.u32 s26, $0x1;
	_ =	strace $0x80000046;
	[dreg:$0x1] =	wrdreg $0xFFFFFFFF  }
0xad: {  	s28 =	simm.s32 $_size_execute0_lowered;
	s4 =	sadd.s32 s4, s6;
	[dreg:$0x0] =	wrdreg $0x0  }
0xae: {  	s6 =	sshll.u32 s28, $0x1;
	[dreg:$0x2] =	wrdreg s4  }
0xaf: {  	[dreg:$0x3] =	wrdreg s6  }
0xb0: {  	[dreg:$0x4] =	wrdreg $0xC0  }
0xb1: {  	_ =	task [dreg:s8], $0x5FFFF  }
0xb2: {  	[dreg:$0x1] =	wrdreg $0xFFFFFFFF  }
0xb3: {  	[dreg:$0x0] =	wrdreg $0x60  }
0xb4: {  	[dreg:$0x2] =	wrdreg s15  }
0xb5: {  	[dreg:$0x3] =	wrdreg s24  }
0xb6: {  	[dreg:$0x4] =	wrdreg s16  }
0xb7: {  	[dreg:$0x5] =	wrdreg $0x9  }
0xb8: {  	_ =	task.clear_ibuf [dreg:s8], $0x6FFFF;
	_ =	strace $0x90000046  }
0xb9: {  	s29 =	simm.s32 $0x9;
	_ =	strace $0x80000048  }
0xba: {  	_ =	swait.ge [sflag:s29], $0x1  }
0xbb: {  	[sflag:s29] =	ssyncadd.s32 $0xFFFFFFFF  }
0xbc: {  	_ =	strace $0x90000048  }
0xbd: {  	_ =	sfence  }
0xbe: {  	s30 =	sld [smem:$0x0];
	_ =	sdelay $0x2  }
0xbf: {  	s31 =	sshll.u32 s1, $0xD;
	s1 =	sshrl.u32 s1, $0x2  }
0xc0: {  	s3 =	sand.u32 $0x4000, s31;
	s1 =	sadd.s32 s1, s30  }
0xc1: {  	s0 =	sor.u32 s3, s0;
	s1 =	sshll.u32 s1, $0x11  }
0xc2: {  	s0 =	sor.u32 s1, s0  }
0xc3: {  	s0 =	sadd.s32 $0x8F2B, s0  }
0xc4: {  	[sflag:s0] =	ssyncadd.remote.s32 $0x1  }
0xc5: {  	_ =	sfence.sel $0xFFFF  }
0xc6: {  	[dreg:$0x0] =	wrdreg $0xFFFFFFFF;
	(pc) =	sbr.abs _section_cstart, $3  }
0xc7: {  	[dreg:$0x1] =	wrdreg $0xFFFFFFFF  }
0xc8: {  	_ =	task.clear_ibuf [dreg:s8], $0x2FFFF;
	_ =	strace $0x9FFFFFFF  }
0xc9: {  	(tm) =	ssettm $0x7FFFFFFF  }
tec
execute0_lowered:
.L_overlay_start_1:
0x0: {  	(tag) =	ssettag $0x1  }
0x1: {  	s1 =	rddreg [dreg:$0x0]  }
0x2: {  	s4 =	rddreg [dreg:$0x1]  }
0x3: {  	s11 =	rddreg [dreg:$0x2]  }
0x4: {  	s0 =	rddreg [dreg:$0x3]  }
0x5: {  	s3 =	simm.s32 $0x0;
	s5 =	srdreg.scid;
	s2 =	stileid.u32  }
0x6: {  	s15 =	simm.s32 $0x880;
	s16 =	simm.s32 $0x1080;
	s17 =	simm.s32 $0x1880  }
0x7: {  	s18 =	simm.s32 $0x2080;
	s19 =	simm.s32 $0x2880;
	s20 =	simm.s32 $0x3080  }
0x8: {  	s28 =	simm.s32 $0x6880;
	s29 =	simm.s32 $0x7080;
	s30 =	simm.s32 $0x7880  }
0x9: {  	s31 =	simm.s32 $0x1;
	[smem:$0x7FF] =	sst s3;
	s5 =	sand.u32 $0x1, s5  }
0xa: {  	s7 =	sshll.u32 s2, $0xA;
	s6 =	ssub.s32 $0x2, s5;
	s5 =	sshll.u32 s5, $0x9  }
0xb: {  	s10 =	sadd.s32 $0x800, s4;
	s21 =	sshrl.u32 s6, $0x1;
	s9 =	sor.u32 s5, s7  }
0xc: {  	_ =	strace $0x80000047;
	s12 =	ssub.s32 s6, s21;
	s22 =	sshrl.u32 s9, $0x3  }
0xd: {  	s5 =	sshll.u32 s9, $0x5;
	s23 =	sor.u32 $0x80, s9;
	s13 =	sor.u32 $0x100, s9  }
0xe: {  	s14 =	sor.u32 $0x180, s9;
	s21 =	simm.s32 $0x3880;
	s4 =	sadd.s32 s10, s22  }
0xf: {  	s5 =	sadd.s32 s11, s5;
	s24 =	sshrl.u32 s23, $0x3;
	s8 =	sshll.u32 s23, $0x5  }
0x10: {  	s25 =	sshrl.u32 s13, $0x3;
	s13 =	sshll.u32 s13, $0x5;
	s26 =	sshrl.u32 s14, $0x3  }
0x11: {  	s14 =	sshll.u32 s14, $0x5;
	s12 =	smax.u32 s12, $0x1;
	s22 =	simm.s32 $0x4080  }
0x12: {  	s23 =	simm.s32 $0x4880;
	s6 =	sadd.s32 s10, s24;
	s7 =	sadd.s32 s11, s8  }
0x13: {  	v2 =	vlaneseq.u32;
	s8 =	sadd.s32 s10, s25;
	s9 =	sadd.s32 s11, s13;
	s10 =	sadd.s32 s10, s26  }
0x14: {  	vm0 =	vmmov $0xffff;
	v1 =	vshrl.u32 v2, $0x3;
	s11 =	sadd.s32 s11, s14;
	s13 =	simm.s32 $0x2;
	s14 =	simm.s32 $0x80  }
0x15: {  	v0 =	vand.u32 $0x7, v2;
	v2 =	vor.u32 $0x8, v2;
	v1 =	vmul.u32 $0x8, v1;
	s24 =	simm.s32 $0x5080;
	s25 =	simm.s32 $0x5880;
	s26 =	simm.s32 $0x6080  }
.LBB2_1:
0x16: {  	[tilespmem:s3], [sflag:$0x2] =	stream.linear.gather [hbm4b:s4+s3], $0x80, $0x38;
	[tilespmem:$0x8080] =	vst v63  }
0x17: {  	_ =	swait.ge [sflag:s13], $0x80  }
0x18: {  	[sflag:s13] =	ssyncset.done $0x0  }
0x19: {  	[sflag:s13] =	ssyncadd.s32 $0xFFFFFF80  }
0x1a: {  	v3 =	vld [tilespmem:$0x0];
	_ =	sdelay $0x4  }
0x1b: {  	v4 =	vshll.u32 v3, $0x1  }
0x1c: {  	v3 =	vand.u32 $0x7, v3;
	v4 =	vand.u32 $0xFFFFFFF0, v4  }
0x1d: {  	v3 =	vor.u32 v3, v4  }
0x1e: {  	v4 =	vperm.xlane v3, v0;
	_ =	sdelay $0x1  }
0x1f: {  	v3 =	vperm.xlane v3, v2;
	v4 =	vadd.s32 v1, v4;
	_ =	sdelay $0x1  }
0x20: {  	v3 =	vadd.s32 v1, v3;
	_ =	sdelay $0x2  }
0x21: {  	[tilespmem:s14], [sflag:$0x1] =	stream.indirect_vreg.gather [hbm4b:s1+s3], $0x80, v4, vm0, $0xb8;
	[tilespmem:$0x8080] =	vst v63  }
0x22: {  	_ = 	snop  }
0x23: {  	[tilespmem:s15], [sflag:$0x1] =	stream.indirect_vreg.gather [hbm4b:s1+s3], $0x80, v3, vm0, $0xb8;
	[tilespmem:$0x8080] =	vst v63  }
0x24: {  	v3 =	vld [tilespmem:$0x10];
	_ =	sdelay $0x4  }
0x25: {  	v33 =	vshll.u32 v3, $0x1  }
0x26: {  	v3 =	vand.u32 $0x7, v3;
	v4 =	vand.u32 $0xFFFFFFF0, v33  }
0x27: {  	v3 =	vor.u32 v3, v4  }
0x28: {  	v4 =	vperm.xlane v3, v0;
	_ =	sdelay $0x1  }
0x29: {  	v3 =	vperm.xlane v3, v2;
	v4 =	vadd.s32 v1, v4;
	_ =	sdelay $0x1  }
0x2a: {  	v3 =	vadd.s32 v1, v3;
	_ =	sdelay $0x2  }
0x2b: {  	[tilespmem:s16], [sflag:$0x1] =	stream.indirect_vreg.gather [hbm4b:s1+s3], $0x80, v4, vm0, $0xb8;
	[tilespmem:$0x8080] =	vst v63  }
0x2c: {  	_ = 	snop  }
0x2d: {  	[tilespmem:s17], [sflag:$0x1] =	stream.indirect_vreg.gather [hbm4b:s1+s3], $0x80, v3, vm0, $0xb8;
	[tilespmem:$0x8080] =	vst v63  }
0x2e: {  	v3 =	vld [tilespmem:$0x20];
	_ =	sdelay $0x4  }
0x2f: {  	v34 =	vshll.u32 v3, $0x1  }
0x30: {  	v3 =	vand.u32 $0x7, v3;
	v4 =	vand.u32 $0xFFFFFFF0, v34  }
0x31: {  	v3 =	vor.u32 v3, v4  }
0x32: {  	v4 =	vperm.xlane v3, v0;
	_ =	sdelay $0x1  }
0x33: {  	v3 =	vperm.xlane v3, v2;
	v4 =	vadd.s32 v1, v4;
	_ =	sdelay $0x1  }
0x34: {  	v3 =	vadd.s32 v1, v3;
	_ =	sdelay $0x2  }
0x35: {  	[tilespmem:s18], [sflag:$0x1] =	stream.indirect_vreg.gather [hbm4b:s1+s3], $0x80, v4, vm0, $0xb8;
	[tilespmem:$0x8080] =	vst v63  }
0x36: {  	_ = 	snop  }
0x37: {  	[tilespmem:s19], [sflag:$0x1] =	stream.indirect_vreg.gather [hbm4b:s1+s3], $0x80, v3, vm0, $0xb8;
	[tilespmem:$0x8080] =	vst v63  }
0x38: {  	v3 =	vld [tilespmem:$0x30];
	_ =	sdelay $0x4  }
0x39: {  	v35 =	vshll.u32 v3, $0x1  }
0x3a: {  	v3 =	vand.u32 $0x7, v3;
	v4 =	vand.u32 $0xFFFFFFF0, v35  }
0x3b: {  	v3 =	vor.u32 v3, v4  }
0x3c: {  	v4 =	vperm.xlane v3, v0;
	_ =	sdelay $0x1  }
0x3d: {  	v3 =	vperm.xlane v3, v2;
	v4 =	vadd.s32 v1, v4;
	_ =	sdelay $0x1  }
0x3e: {  	v3 =	vadd.s32 v1, v3;
	_ =	sdelay $0x2  }
0x3f: {  	[tilespmem:s20], [sflag:$0x1] =	stream.indirect_vreg.gather [hbm4b:s1+s3], $0x80, v4, vm0, $0xb8;
	[tilespmem:$0x8080] =	vst v63  }
0x40: {  	_ = 	snop  }
0x41: {  	[tilespmem:s21], [sflag:$0x1] =	stream.indirect_vreg.gather [hbm4b:s1+s3], $0x80, v3, vm0, $0xb8;
	[tilespmem:$0x8080] =	vst v63  }
0x42: {  	v3 =	vld [tilespmem:$0x40];
	_ =	sdelay $0x4  }
0x43: {  	v36 =	vshll.u32 v3, $0x1  }
0x44: {  	v3 =	vand.u32 $0x7, v3;
	v4 =	vand.u32 $0xFFFFFFF0, v36  }
0x45: {  	v3 =	vor.u32 v3, v4  }
0x46: {  	v4 =	vperm.xlane v3, v0;
	_ =	sdelay $0x1  }
0x47: {  	v3 =	vperm.xlane v3, v2;
	v4 =	vadd.s32 v1, v4;
	_ =	sdelay $0x1  }
0x48: {  	v3 =	vadd.s32 v1, v3;
	_ =	sdelay $0x2  }
0x49: {  	[tilespmem:s22], [sflag:$0x1] =	stream.indirect_vreg.gather [hbm4b:s1+s3], $0x80, v4, vm0, $0xb8;
	[tilespmem:$0x8080] =	vst v63  }
0x4a: {  	_ = 	snop  }
0x4b: {  	[tilespmem:s23], [sflag:$0x1] =	stream.indirect_vreg.gather [hbm4b:s1+s3], $0x80, v3, vm0, $0xb8;
	[tilespmem:$0x8080] =	vst v63  }
0x4c: {  	v3 =	vld [tilespmem:$0x50];
	_ =	sdelay $0x4  }
0x4d: {  	v37 =	vshll.u32 v3, $0x1  }
0x4e: {  	v3 =	vand.u32 $0x7, v3;
	v4 =	vand.u32 $0xFFFFFFF0, v37  }
0x4f: {  	v3 =	vor.u32 v3, v4  }
0x50: {  	v4 =	vperm.xlane v3, v0;
	_ =	sdelay $0x1  }
0x51: {  	v3 =	vperm.xlane v3, v2;
	v4 =	vadd.s32 v1, v4;
	_ =	sdelay $0x1  }
0x52: {  	v3 =	vadd.s32 v1, v3;
	_ =	sdelay $0x2  }
0x53: {  	[tilespmem:s24], [sflag:$0x1] =	stream.indirect_vreg.gather [hbm4b:s1+s3], $0x80, v4, vm0, $0xb8;
	[tilespmem:$0x8080] =	vst v63  }
0x54: {  	_ = 	snop  }
0x55: {  	[tilespmem:s25], [sflag:$0x1] =	stream.indirect_vreg.gather [hbm4b:s1+s3], $0x80, v3, vm0, $0xb8;
	[tilespmem:$0x8080] =	vst v63  }
0x56: {  	v3 =	vld [tilespmem:$0x60];
	_ =	sdelay $0x4  }
0x57: {  	v38 =	vshll.u32 v3, $0x1  }
0x58: {  	v3 =	vand.u32 $0x7, v3;
	v4 =	vand.u32 $0xFFFFFFF0, v38  }
0x59: {  	v3 =	vor.u32 v3, v4  }
0x5a: {  	v4 =	vperm.xlane v3, v0;
	_ =	sdelay $0x1  }
0x5b: {  	v3 =	vperm.xlane v3, v2;
	v4 =	vadd.s32 v1, v4;
	_ =	sdelay $0x1  }
0x5c: {  	v3 =	vadd.s32 v1, v3;
	_ =	sdelay $0x2  }
0x5d: {  	[tilespmem:s26], [sflag:$0x1] =	stream.indirect_vreg.gather [hbm4b:s1+s3], $0x80, v4, vm0, $0xb8;
	[tilespmem:$0x8080] =	vst v63  }
0x5e: {  	_ = 	snop  }
0x5f: {  	[tilespmem:s28], [sflag:$0x1] =	stream.indirect_vreg.gather [hbm4b:s1+s3], $0x80, v3, vm0, $0xb8;
	[tilespmem:$0x8080] =	vst v63  }
0x60: {  	v3 =	vld [tilespmem:$0x70];
	_ =	sdelay $0x4  }
0x61: {  	v39 =	vshll.u32 v3, $0x1  }
0x62: {  	v3 =	vand.u32 $0x7, v3;
	v4 =	vand.u32 $0xFFFFFFF0, v39  }
0x63: {  	v3 =	vor.u32 v3, v4  }
0x64: {  	v4 =	vperm.xlane v3, v0;
	_ =	sdelay $0x1  }
0x65: {  	v3 =	vperm.xlane v3, v2;
	v4 =	vadd.s32 v1, v4;
	_ =	sdelay $0x1  }
0x66: {  	v3 =	vadd.s32 v1, v3;
	_ =	sdelay $0x2  }
0x67: {  	[tilespmem:s29], [sflag:$0x1] =	stream.indirect_vreg.gather [hbm4b:s1+s3], $0x80, v4, vm0, $0xb8;
	[tilespmem:$0x8080] =	vst v63  }
0x68: {  	_ = 	snop  }
0x69: {  	[tilespmem:s30], [sflag:$0x1] =	stream.indirect_vreg.gather [hbm4b:s1+s3], $0x80, v3, vm0, $0xb8;
	[tilespmem:$0x8080] =	vst v63  }
0x6a: {  	_ =	swait.ge [sflag:s31], $0x8000  }
0x6b: {  	[sflag:s31] =	ssyncset.done $0x0  }
0x6c: {  	[sflag:s31] =	ssyncadd.s32 $0xFFFF8000  }
0x6d: {  	[hbm4b:s5+s3] =	stream.linear.scatter [tilespmem:s14], [sflag:$0x2], $0x8000, $0x38;
	[tilespmem:$0x8080] =	vst v63  }
0x6e: {  	_ =	swait.ge [sflag:s13], $0x8000  }
0x6f: {  	[sflag:s13] =	ssyncset.done $0x0  }
0x70: {  	[sflag:s13] =	ssyncadd.s32 $0xFFFF8000  }
0x71: {  	[tilespmem:s3], [sflag:$0x2] =	stream.linear.gather [hbm4b:s6+s3], $0x80, $0x38;
	[tilespmem:$0x8080] =	vst v63  }
0x72: {  	_ =	swait.ge [sflag:s13], $0x80  }
0x73: {  	[sflag:s13] =	ssyncset.done $0x0  }
0x74: {  	[sflag:s13] =	ssyncadd.s32 $0xFFFFFF80  }
0x75: {  	v3 =	vld [tilespmem:$0x0];
	_ =	sdelay $0x4  }
0x76: {  	v40 =	vshll.u32 v3, $0x1  }
0x77: {  	v3 =	vand.u32 $0x7, v3;
	v4 =	vand.u32 $0xFFFFFFF0, v40  }
0x78: {  	v3 =	vor.u32 v3, v4  }
0x79: {  	v4 =	vperm.xlane v3, v0;
	_ =	sdelay $0x1  }
0x7a: {  	v3 =	vperm.xlane v3, v2;
	v4 =	vadd.s32 v1, v4;
	_ =	sdelay $0x1  }
0x7b: {  	v3 =	vadd.s32 v1, v3;
	_ =	sdelay $0x2  }
0x7c: {  	[tilespmem:s14], [sflag:$0x1] =	stream.indirect_vreg.gather [hbm4b:s1+s3], $0x80, v4, vm0, $0xb8;
	[tilespmem:$0x8080] =	vst v63  }
0x7d: {  	_ = 	snop  }
0x7e: {  	[tilespmem:s15], [sflag:$0x1] =	stream.indirect_vreg.gather [hbm4b:s1+s3], $0x80, v3, vm0, $0xb8;
	[tilespmem:$0x8080] =	vst v63  }
0x7f: {  	v3 =	vld [tilespmem:$0x10];
	_ =	sdelay $0x4  }
0x80: {  	v41 =	vshll.u32 v3, $0x1  }
0x81: {  	v3 =	vand.u32 $0x7, v3;
	v4 =	vand.u32 $0xFFFFFFF0, v41  }
0x82: {  	v3 =	vor.u32 v3, v4  }
0x83: {  	v4 =	vperm.xlane v3, v0;
	_ =	sdelay $0x1  }
0x84: {  	v3 =	vperm.xlane v3, v2;
	v4 =	vadd.s32 v1, v4;
	_ =	sdelay $0x1  }
0x85: {  	v3 =	vadd.s32 v1, v3;
	_ =	sdelay $0x2  }
0x86: {  	[tilespmem:s16], [sflag:$0x1] =	stream.indirect_vreg.gather [hbm4b:s1+s3], $0x80, v4, vm0, $0xb8;
	[tilespmem:$0x8080] =	vst v63  }
0x87: {  	_ = 	snop  }
0x88: {  	[tilespmem:s17], [sflag:$0x1] =	stream.indirect_vreg.gather [hbm4b:s1+s3], $0x80, v3, vm0, $0xb8;
	[tilespmem:$0x8080] =	vst v63  }
0x89: {  	v3 =	vld [tilespmem:$0x20];
	_ =	sdelay $0x4  }
0x8a: {  	v42 =	vshll.u32 v3, $0x1  }
0x8b: {  	v3 =	vand.u32 $0x7, v3;
	v4 =	vand.u32 $0xFFFFFFF0, v42  }
0x8c: {  	v3 =	vor.u32 v3, v4  }
0x8d: {  	v4 =	vperm.xlane v3, v0;
	_ =	sdelay $0x1  }
0x8e: {  	v3 =	vperm.xlane v3, v2;
	v4 =	vadd.s32 v1, v4;
	_ =	sdelay $0x1  }
0x8f: {  	v3 =	vadd.s32 v1, v3;
	_ =	sdelay $0x2  }
0x90: {  	[tilespmem:s18], [sflag:$0x1] =	stream.indirect_vreg.gather [hbm4b:s1+s3], $0x80, v4, vm0, $0xb8;
	[tilespmem:$0x8080] =	vst v63  }
0x91: {  	_ = 	snop  }
0x92: {  	[tilespmem:s19], [sflag:$0x1] =	stream.indirect_vreg.gather [hbm4b:s1+s3], $0x80, v3, vm0, $0xb8;
	[tilespmem:$0x8080] =	vst v63  }
0x93: {  	v3 =	vld [tilespmem:$0x30];
	_ =	sdelay $0x4  }
0x94: {  	v43 =	vshll.u32 v3, $0x1  }
0x95: {  	v3 =	vand.u32 $0x7, v3;
	v4 =	vand.u32 $0xFFFFFFF0, v43  }
0x96: {  	v3 =	vor.u32 v3, v4  }
0x97: {  	v4 =	vperm.xlane v3, v0;
	_ =	sdelay $0x1  }
0x98: {  	v3 =	vperm.xlane v3, v2;
	v4 =	vadd.s32 v1, v4;
	_ =	sdelay $0x1  }
0x99: {  	v3 =	vadd.s32 v1, v3;
	_ =	sdelay $0x2  }
0x9a: {  	[tilespmem:s20], [sflag:$0x1] =	stream.indirect_vreg.gather [hbm4b:s1+s3], $0x80, v4, vm0, $0xb8;
	[tilespmem:$0x8080] =	vst v63  }
0x9b: {  	_ = 	snop  }
0x9c: {  	[tilespmem:s21], [sflag:$0x1] =	stream.indirect_vreg.gather [hbm4b:s1+s3], $0x80, v3, vm0, $0xb8;
	[tilespmem:$0x8080] =	vst v63  }
0x9d: {  	v3 =	vld [tilespmem:$0x40];
	_ =	sdelay $0x4  }
0x9e: {  	v44 =	vshll.u32 v3, $0x1  }
0x9f: {  	v3 =	vand.u32 $0x7, v3;
	v4 =	vand.u32 $0xFFFFFFF0, v44  }
0xa0: {  	v3 =	vor.u32 v3, v4  }
0xa1: {  	v4 =	vperm.xlane v3, v0;
	_ =	sdelay $0x1  }
0xa2: {  	v3 =	vperm.xlane v3, v2;
	v4 =	vadd.s32 v1, v4;
	_ =	sdelay $0x1  }
0xa3: {  	v3 =	vadd.s32 v1, v3;
	_ =	sdelay $0x2  }
0xa4: {  	[tilespmem:s22], [sflag:$0x1] =	stream.indirect_vreg.gather [hbm4b:s1+s3], $0x80, v4, vm0, $0xb8;
	[tilespmem:$0x8080] =	vst v63  }
0xa5: {  	_ = 	snop  }
0xa6: {  	[tilespmem:s23], [sflag:$0x1] =	stream.indirect_vreg.gather [hbm4b:s1+s3], $0x80, v3, vm0, $0xb8;
	[tilespmem:$0x8080] =	vst v63  }
0xa7: {  	v3 =	vld [tilespmem:$0x50];
	_ =	sdelay $0x4  }
0xa8: {  	v45 =	vshll.u32 v3, $0x1  }
0xa9: {  	v3 =	vand.u32 $0x7, v3;
	v4 =	vand.u32 $0xFFFFFFF0, v45  }
0xaa: {  	v3 =	vor.u32 v3, v4  }
0xab: {  	v4 =	vperm.xlane v3, v0;
	_ =	sdelay $0x1  }
0xac: {  	v3 =	vperm.xlane v3, v2;
	v4 =	vadd.s32 v1, v4;
	_ =	sdelay $0x1  }
0xad: {  	v3 =	vadd.s32 v1, v3;
	_ =	sdelay $0x2  }
0xae: {  	[tilespmem:s24], [sflag:$0x1] =	stream.indirect_vreg.gather [hbm4b:s1+s3], $0x80, v4, vm0, $0xb8;
	[tilespmem:$0x8080] =	vst v63  }
0xaf: {  	_ = 	snop  }
0xb0: {  	[tilespmem:s25], [sflag:$0x1] =	stream.indirect_vreg.gather [hbm4b:s1+s3], $0x80, v3, vm0, $0xb8;
	[tilespmem:$0x8080] =	vst v63  }
0xb1: {  	v3 =	vld [tilespmem:$0x60];
	_ =	sdelay $0x4  }
0xb2: {  	v46 =	vshll.u32 v3, $0x1  }
0xb3: {  	v3 =	vand.u32 $0x7, v3;
	v4 =	vand.u32 $0xFFFFFFF0, v46  }
0xb4: {  	v3 =	vor.u32 v3, v4  }
0xb5: {  	v4 =	vperm.xlane v3, v0;
	_ =	sdelay $0x1  }
0xb6: {  	v3 =	vperm.xlane v3, v2;
	v4 =	vadd.s32 v1, v4;
	_ =	sdelay $0x1  }
0xb7: {  	v3 =	vadd.s32 v1, v3;
	_ =	sdelay $0x2  }
0xb8: {  	[tilespmem:s26], [sflag:$0x1] =	stream.indirect_vreg.gather [hbm4b:s1+s3], $0x80, v4, vm0, $0xb8;
	[tilespmem:$0x8080] =	vst v63  }
0xb9: {  	_ = 	snop  }
0xba: {  	[tilespmem:s28], [sflag:$0x1] =	stream.indirect_vreg.gather [hbm4b:s1+s3], $0x80, v3, vm0, $0xb8;
	[tilespmem:$0x8080] =	vst v63  }
0xbb: {  	v3 =	vld [tilespmem:$0x70];
	_ =	sdelay $0x4  }
0xbc: {  	v47 =	vshll.u32 v3, $0x1  }
0xbd: {  	v3 =	vand.u32 $0x7, v3;
	v4 =	vand.u32 $0xFFFFFFF0, v47  }
0xbe: {  	v3 =	vor.u32 v3, v4  }
0xbf: {  	v4 =	vperm.xlane v3, v0;
	_ =	sdelay $0x1  }
0xc0: {  	v3 =	vperm.xlane v3, v2;
	v4 =	vadd.s32 v1, v4;
	_ =	sdelay $0x1  }
0xc1: {  	v3 =	vadd.s32 v1, v3;
	_ =	sdelay $0x2  }
0xc2: {  	[tilespmem:s29], [sflag:$0x1] =	stream.indirect_vreg.gather [hbm4b:s1+s3], $0x80, v4, vm0, $0xb8;
	[tilespmem:$0x8080] =	vst v63  }
0xc3: {  	_ = 	snop  }
0xc4: {  	[tilespmem:s30], [sflag:$0x1] =	stream.indirect_vreg.gather [hbm4b:s1+s3], $0x80, v3, vm0, $0xb8;
	[tilespmem:$0x8080] =	vst v63  }
0xc5: {  	_ =	swait.ge [sflag:s31], $0x8000  }
0xc6: {  	[sflag:s31] =	ssyncset.done $0x0  }
0xc7: {  	[sflag:s31] =	ssyncadd.s32 $0xFFFF8000  }
0xc8: {  	[hbm4b:s7+s3] =	stream.linear.scatter [tilespmem:s14], [sflag:$0x2], $0x8000, $0x38;
	[tilespmem:$0x8080] =	vst v63  }
0xc9: {  	_ =	swait.ge [sflag:s13], $0x8000  }
0xca: {  	[sflag:s13] =	ssyncset.done $0x0  }
0xcb: {  	[sflag:s13] =	ssyncadd.s32 $0xFFFF8000  }
0xcc: {  	[tilespmem:s3], [sflag:$0x2] =	stream.linear.gather [hbm4b:s8+s3], $0x80, $0x38;
	[tilespmem:$0x8080] =	vst v63  }
0xcd: {  	_ =	swait.ge [sflag:s13], $0x80  }
0xce: {  	[sflag:s13] =	ssyncset.done $0x0  }
0xcf: {  	[sflag:s13] =	ssyncadd.s32 $0xFFFFFF80  }
0xd0: {  	v3 =	vld [tilespmem:$0x0];
	_ =	sdelay $0x4  }
0xd1: {  	v48 =	vshll.u32 v3, $0x1  }
0xd2: {  	v3 =	vand.u32 $0x7, v3;
	v4 =	vand.u32 $0xFFFFFFF0, v48  }
0xd3: {  	v3 =	vor.u32 v3, v4  }
0xd4: {  	v4 =	vperm.xlane v3, v0;
	_ =	sdelay $0x1  }
0xd5: {  	v3 =	vperm.xlane v3, v2;
	v4 =	vadd.s32 v1, v4;
	_ =	sdelay $0x1  }
0xd6: {  	v3 =	vadd.s32 v1, v3;
	_ =	sdelay $0x2  }
0xd7: {  	[tilespmem:s14], [sflag:$0x1] =	stream.indirect_vreg.gather [hbm4b:s1+s3], $0x80, v4, vm0, $0xb8;
	[tilespmem:$0x8080] =	vst v63  }
0xd8: {  	_ = 	snop  }
0xd9: {  	[tilespmem:s15], [sflag:$0x1] =	stream.indirect_vreg.gather [hbm4b:s1+s3], $0x80, v3, vm0, $0xb8;
	[tilespmem:$0x8080] =	vst v63  }
0xda: {  	v3 =	vld [tilespmem:$0x10];
	_ =	sdelay $0x4  }
0xdb: {  	v49 =	vshll.u32 v3, $0x1  }
0xdc: {  	v3 =	vand.u32 $0x7, v3;
	v4 =	vand.u32 $0xFFFFFFF0, v49  }
0xdd: {  	v3 =	vor.u32 v3, v4  }
0xde: {  	v4 =	vperm.xlane v3, v0;
	_ =	sdelay $0x1  }
0xdf: {  	v3 =	vperm.xlane v3, v2;
	v4 =	vadd.s32 v1, v4;
	_ =	sdelay $0x1  }
0xe0: {  	v3 =	vadd.s32 v1, v3;
	_ =	sdelay $0x2  }
0xe1: {  	[tilespmem:s16], [sflag:$0x1] =	stream.indirect_vreg.gather [hbm4b:s1+s3], $0x80, v4, vm0, $0xb8;
	[tilespmem:$0x8080] =	vst v63  }
0xe2: {  	_ = 	snop  }
0xe3: {  	[tilespmem:s17], [sflag:$0x1] =	stream.indirect_vreg.gather [hbm4b:s1+s3], $0x80, v3, vm0, $0xb8;
	[tilespmem:$0x8080] =	vst v63  }
0xe4: {  	v3 =	vld [tilespmem:$0x20];
	_ =	sdelay $0x4  }
0xe5: {  	v50 =	vshll.u32 v3, $0x1  }
0xe6: {  	v3 =	vand.u32 $0x7, v3;
	v4 =	vand.u32 $0xFFFFFFF0, v50  }
0xe7: {  	v3 =	vor.u32 v3, v4  }
0xe8: {  	v4 =	vperm.xlane v3, v0;
	_ =	sdelay $0x1  }
0xe9: {  	v3 =	vperm.xlane v3, v2;
	v4 =	vadd.s32 v1, v4;
	_ =	sdelay $0x1  }
0xea: {  	v3 =	vadd.s32 v1, v3;
	_ =	sdelay $0x2  }
0xeb: {  	[tilespmem:s18], [sflag:$0x1] =	stream.indirect_vreg.gather [hbm4b:s1+s3], $0x80, v4, vm0, $0xb8;
	[tilespmem:$0x8080] =	vst v63  }
0xec: {  	_ = 	snop  }
0xed: {  	[tilespmem:s19], [sflag:$0x1] =	stream.indirect_vreg.gather [hbm4b:s1+s3], $0x80, v3, vm0, $0xb8;
	[tilespmem:$0x8080] =	vst v63  }
0xee: {  	v3 =	vld [tilespmem:$0x30];
	_ =	sdelay $0x4  }
0xef: {  	v51 =	vshll.u32 v3, $0x1  }
0xf0: {  	v3 =	vand.u32 $0x7, v3;
	v4 =	vand.u32 $0xFFFFFFF0, v51  }
0xf1: {  	v3 =	vor.u32 v3, v4  }
0xf2: {  	v4 =	vperm.xlane v3, v0;
	_ =	sdelay $0x1  }
0xf3: {  	v3 =	vperm.xlane v3, v2;
	v4 =	vadd.s32 v1, v4;
	_ =	sdelay $0x1  }
0xf4: {  	v3 =	vadd.s32 v1, v3;
	_ =	sdelay $0x2  }
0xf5: {  	[tilespmem:s20], [sflag:$0x1] =	stream.indirect_vreg.gather [hbm4b:s1+s3], $0x80, v4, vm0, $0xb8;
	[tilespmem:$0x8080] =	vst v63  }
0xf6: {  	_ = 	snop  }
0xf7: {  	[tilespmem:s21], [sflag:$0x1] =	stream.indirect_vreg.gather [hbm4b:s1+s3], $0x80, v3, vm0, $0xb8;
	[tilespmem:$0x8080] =	vst v63  }
0xf8: {  	v3 =	vld [tilespmem:$0x40];
	_ =	sdelay $0x4  }
0xf9: {  	v52 =	vshll.u32 v3, $0x1  }
0xfa: {  	v3 =	vand.u32 $0x7, v3;
	v4 =	vand.u32 $0xFFFFFFF0, v52  }
0xfb: {  	v3 =	vor.u32 v3, v4  }
0xfc: {  	v4 =	vperm.xlane v3, v0;
	_ =	sdelay $0x1  }
0xfd: {  	v3 =	vperm.xlane v3, v2;
	v4 =	vadd.s32 v1, v4;
	_ =	sdelay $0x1  }
0xfe: {  	v3 =	vadd.s32 v1, v3;
	_ =	sdelay $0x2  }
0xff: {  	[tilespmem:s22], [sflag:$0x1] =	stream.indirect_vreg.gather [hbm4b:s1+s3], $0x80, v4, vm0, $0xb8;
	[tilespmem:$0x8080] =	vst v63  }
0x100: {  	_ = 	snop  }
0x101: {  	[tilespmem:s23], [sflag:$0x1] =	stream.indirect_vreg.gather [hbm4b:s1+s3], $0x80, v3, vm0, $0xb8;
	[tilespmem:$0x8080] =	vst v63  }
0x102: {  	v3 =	vld [tilespmem:$0x50];
	_ =	sdelay $0x4  }
0x103: {  	v53 =	vshll.u32 v3, $0x1  }
0x104: {  	v3 =	vand.u32 $0x7, v3;
	v4 =	vand.u32 $0xFFFFFFF0, v53  }
0x105: {  	v3 =	vor.u32 v3, v4  }
0x106: {  	v4 =	vperm.xlane v3, v0;
	_ =	sdelay $0x1  }
0x107: {  	v3 =	vperm.xlane v3, v2;
	v4 =	vadd.s32 v1, v4;
	_ =	sdelay $0x1  }
0x108: {  	v3 =	vadd.s32 v1, v3;
	_ =	sdelay $0x2  }
0x109: {  	[tilespmem:s24], [sflag:$0x1] =	stream.indirect_vreg.gather [hbm4b:s1+s3], $0x80, v4, vm0, $0xb8;
	[tilespmem:$0x8080] =	vst v63  }
0x10a: {  	_ = 	snop  }
0x10b: {  	[tilespmem:s25], [sflag:$0x1] =	stream.indirect_vreg.gather [hbm4b:s1+s3], $0x80, v3, vm0, $0xb8;
	[tilespmem:$0x8080] =	vst v63  }
0x10c: {  	v3 =	vld [tilespmem:$0x60];
	_ =	sdelay $0x4  }
0x10d: {  	v54 =	vshll.u32 v3, $0x1  }
0x10e: {  	v3 =	vand.u32 $0x7, v3;
	v4 =	vand.u32 $0xFFFFFFF0, v54  }
0x10f: {  	v3 =	vor.u32 v3, v4  }
0x110: {  	v4 =	vperm.xlane v3, v0;
	_ =	sdelay $0x1  }
0x111: {  	v3 =	vperm.xlane v3, v2;
	v4 =	vadd.s32 v1, v4;
	_ =	sdelay $0x1  }
0x112: {  	v3 =	vadd.s32 v1, v3;
	_ =	sdelay $0x2  }
0x113: {  	[tilespmem:s26], [sflag:$0x1] =	stream.indirect_vreg.gather [hbm4b:s1+s3], $0x80, v4, vm0, $0xb8;
	[tilespmem:$0x8080] =	vst v63  }
0x114: {  	_ = 	snop  }
0x115: {  	[tilespmem:s28], [sflag:$0x1] =	stream.indirect_vreg.gather [hbm4b:s1+s3], $0x80, v3, vm0, $0xb8;
	[tilespmem:$0x8080] =	vst v63  }
0x116: {  	v3 =	vld [tilespmem:$0x70];
	_ =	sdelay $0x4  }
0x117: {  	v55 =	vshll.u32 v3, $0x1  }
0x118: {  	v3 =	vand.u32 $0x7, v3;
	v4 =	vand.u32 $0xFFFFFFF0, v55  }
0x119: {  	v3 =	vor.u32 v3, v4  }
0x11a: {  	v4 =	vperm.xlane v3, v0;
	_ =	sdelay $0x1  }
0x11b: {  	v3 =	vperm.xlane v3, v2;
	v4 =	vadd.s32 v1, v4;
	_ =	sdelay $0x1  }
0x11c: {  	v3 =	vadd.s32 v1, v3;
	_ =	sdelay $0x2  }
0x11d: {  	[tilespmem:s29], [sflag:$0x1] =	stream.indirect_vreg.gather [hbm4b:s1+s3], $0x80, v4, vm0, $0xb8;
	[tilespmem:$0x8080] =	vst v63  }
0x11e: {  	_ = 	snop  }
0x11f: {  	[tilespmem:s30], [sflag:$0x1] =	stream.indirect_vreg.gather [hbm4b:s1+s3], $0x80, v3, vm0, $0xb8;
	[tilespmem:$0x8080] =	vst v63  }
0x120: {  	_ =	swait.ge [sflag:s31], $0x8000  }
0x121: {  	[sflag:s31] =	ssyncset.done $0x0  }
0x122: {  	[sflag:s31] =	ssyncadd.s32 $0xFFFF8000  }
0x123: {  	[hbm4b:s9+s3] =	stream.linear.scatter [tilespmem:s14], [sflag:$0x2], $0x8000, $0x38;
	[tilespmem:$0x8080] =	vst v63  }
0x124: {  	_ =	swait.ge [sflag:s13], $0x8000  }
0x125: {  	[sflag:s13] =	ssyncset.done $0x0  }
0x126: {  	[sflag:s13] =	ssyncadd.s32 $0xFFFF8000  }
0x127: {  	[tilespmem:s3], [sflag:$0x2] =	stream.linear.gather [hbm4b:s10+s3], $0x80, $0x38;
	[tilespmem:$0x8080] =	vst v63  }
0x128: {  	_ =	swait.ge [sflag:s13], $0x80  }
0x129: {  	[sflag:s13] =	ssyncset.done $0x0  }
0x12a: {  	[sflag:s13] =	ssyncadd.s32 $0xFFFFFF80  }
0x12b: {  	v3 =	vld [tilespmem:$0x0];
	_ =	sdelay $0x4  }
0x12c: {  	v56 =	vshll.u32 v3, $0x1  }
0x12d: {  	v3 =	vand.u32 $0x7, v3;
	v4 =	vand.u32 $0xFFFFFFF0, v56  }
0x12e: {  	v3 =	vor.u32 v3, v4  }
0x12f: {  	v4 =	vperm.xlane v3, v0;
	_ =	sdelay $0x1  }
0x130: {  	v3 =	vperm.xlane v3, v2;
	v4 =	vadd.s32 v1, v4;
	_ =	sdelay $0x1  }
0x131: {  	v3 =	vadd.s32 v1, v3;
	_ =	sdelay $0x2  }
0x132: {  	[tilespmem:s14], [sflag:$0x1] =	stream.indirect_vreg.gather [hbm4b:s1+s3], $0x80, v4, vm0, $0xb8;
	[tilespmem:$0x8080] =	vst v63  }
0x133: {  	_ = 	snop  }
0x134: {  	[tilespmem:s15], [sflag:$0x1] =	stream.indirect_vreg.gather [hbm4b:s1+s3], $0x80, v3, vm0, $0xb8;
	[tilespmem:$0x8080] =	vst v63  }
0x135: {  	v3 =	vld [tilespmem:$0x10];
	_ =	sdelay $0x4  }
0x136: {  	v57 =	vshll.u32 v3, $0x1  }
0x137: {  	v3 =	vand.u32 $0x7, v3;
	v4 =	vand.u32 $0xFFFFFFF0, v57  }
0x138: {  	v3 =	vor.u32 v3, v4  }
0x139: {  	v4 =	vperm.xlane v3, v0;
	_ =	sdelay $0x1  }
0x13a: {  	v3 =	vperm.xlane v3, v2;
	v4 =	vadd.s32 v1, v4;
	_ =	sdelay $0x1  }
0x13b: {  	v3 =	vadd.s32 v1, v3;
	_ =	sdelay $0x2  }
0x13c: {  	[tilespmem:s16], [sflag:$0x1] =	stream.indirect_vreg.gather [hbm4b:s1+s3], $0x80, v4, vm0, $0xb8;
	[tilespmem:$0x8080] =	vst v63  }
0x13d: {  	_ = 	snop  }
0x13e: {  	[tilespmem:s17], [sflag:$0x1] =	stream.indirect_vreg.gather [hbm4b:s1+s3], $0x80, v3, vm0, $0xb8;
	[tilespmem:$0x8080] =	vst v63  }
0x13f: {  	v3 =	vld [tilespmem:$0x20];
	_ =	sdelay $0x4  }
0x140: {  	v58 =	vshll.u32 v3, $0x1  }
0x141: {  	v3 =	vand.u32 $0x7, v3;
	v4 =	vand.u32 $0xFFFFFFF0, v58  }
0x142: {  	v3 =	vor.u32 v3, v4  }
0x143: {  	v4 =	vperm.xlane v3, v0;
	_ =	sdelay $0x1  }
0x144: {  	v3 =	vperm.xlane v3, v2;
	v4 =	vadd.s32 v1, v4;
	_ =	sdelay $0x1  }
0x145: {  	v3 =	vadd.s32 v1, v3;
	_ =	sdelay $0x2  }
0x146: {  	[tilespmem:s18], [sflag:$0x1] =	stream.indirect_vreg.gather [hbm4b:s1+s3], $0x80, v4, vm0, $0xb8;
	[tilespmem:$0x8080] =	vst v63  }
0x147: {  	_ = 	snop  }
0x148: {  	[tilespmem:s19], [sflag:$0x1] =	stream.indirect_vreg.gather [hbm4b:s1+s3], $0x80, v3, vm0, $0xb8;
	[tilespmem:$0x8080] =	vst v63  }
0x149: {  	v3 =	vld [tilespmem:$0x30];
	_ =	sdelay $0x4  }
0x14a: {  	v59 =	vshll.u32 v3, $0x1  }
0x14b: {  	v3 =	vand.u32 $0x7, v3;
	v4 =	vand.u32 $0xFFFFFFF0, v59  }
0x14c: {  	v3 =	vor.u32 v3, v4  }
0x14d: {  	v4 =	vperm.xlane v3, v0;
	_ =	sdelay $0x1  }
0x14e: {  	v3 =	vperm.xlane v3, v2;
	v4 =	vadd.s32 v1, v4;
	_ =	sdelay $0x1  }
0x14f: {  	v3 =	vadd.s32 v1, v3;
	_ =	sdelay $0x2  }
0x150: {  	[tilespmem:s20], [sflag:$0x1] =	stream.indirect_vreg.gather [hbm4b:s1+s3], $0x80, v4, vm0, $0xb8;
	[tilespmem:$0x8080] =	vst v63  }
0x151: {  	_ = 	snop  }
0x152: {  	[tilespmem:s21], [sflag:$0x1] =	stream.indirect_vreg.gather [hbm4b:s1+s3], $0x80, v3, vm0, $0xb8;
	[tilespmem:$0x8080] =	vst v63  }
0x153: {  	v3 =	vld [tilespmem:$0x40];
	_ =	sdelay $0x4  }
0x154: {  	v60 =	vshll.u32 v3, $0x1  }
0x155: {  	v3 =	vand.u32 $0x7, v3;
	v4 =	vand.u32 $0xFFFFFFF0, v60  }
0x156: {  	v3 =	vor.u32 v3, v4  }
0x157: {  	v4 =	vperm.xlane v3, v0;
	_ =	sdelay $0x1  }
0x158: {  	v3 =	vperm.xlane v3, v2;
	v4 =	vadd.s32 v1, v4;
	_ =	sdelay $0x1  }
0x159: {  	v3 =	vadd.s32 v1, v3;
	_ =	sdelay $0x2  }
0x15a: {  	[tilespmem:s22], [sflag:$0x1] =	stream.indirect_vreg.gather [hbm4b:s1+s3], $0x80, v4, vm0, $0xb8;
	[tilespmem:$0x8080] =	vst v63  }
0x15b: {  	_ = 	snop  }
0x15c: {  	[tilespmem:s23], [sflag:$0x1] =	stream.indirect_vreg.gather [hbm4b:s1+s3], $0x80, v3, vm0, $0xb8;
	[tilespmem:$0x8080] =	vst v63  }
0x15d: {  	v3 =	vld [tilespmem:$0x50];
	_ =	sdelay $0x4  }
0x15e: {  	v61 =	vshll.u32 v3, $0x1  }
0x15f: {  	v3 =	vand.u32 $0x7, v3;
	v4 =	vand.u32 $0xFFFFFFF0, v61  }
0x160: {  	v3 =	vor.u32 v3, v4  }
0x161: {  	v4 =	vperm.xlane v3, v0;
	_ =	sdelay $0x1  }
0x162: {  	v3 =	vperm.xlane v3, v2;
	v4 =	vadd.s32 v1, v4;
	_ =	sdelay $0x1  }
0x163: {  	v3 =	vadd.s32 v1, v3;
	_ =	sdelay $0x2  }
0x164: {  	[tilespmem:s24], [sflag:$0x1] =	stream.indirect_vreg.gather [hbm4b:s1+s3], $0x80, v4, vm0, $0xb8;
	[tilespmem:$0x8080] =	vst v63  }
0x165: {  	_ = 	snop  }
0x166: {  	[tilespmem:s25], [sflag:$0x1] =	stream.indirect_vreg.gather [hbm4b:s1+s3], $0x80, v3, vm0, $0xb8;
	[tilespmem:$0x8080] =	vst v63  }
0x167: {  	v3 =	vld [tilespmem:$0x60];
	_ =	sdelay $0x4  }
0x168: {  	v62 =	vshll.u32 v3, $0x1  }
0x169: {  	v3 =	vand.u32 $0x7, v3;
	v4 =	vand.u32 $0xFFFFFFF0, v62  }
0x16a: {  	v3 =	vor.u32 v3, v4  }
0x16b: {  	v4 =	vperm.xlane v3, v0;
	_ =	sdelay $0x1  }
0x16c: {  	v3 =	vperm.xlane v3, v2;
	v4 =	vadd.s32 v1, v4;
	_ =	sdelay $0x1  }
0x16d: {  	v3 =	vadd.s32 v1, v3;
	_ =	sdelay $0x2  }
0x16e: {  	[tilespmem:s26], [sflag:$0x1] =	stream.indirect_vreg.gather [hbm4b:s1+s3], $0x80, v4, vm0, $0xb8;
	[tilespmem:$0x8080] =	vst v63  }
0x16f: {  	_ = 	snop  }
0x170: {  	[tilespmem:s28], [sflag:$0x1] =	stream.indirect_vreg.gather [hbm4b:s1+s3], $0x80, v3, vm0, $0xb8;
	[tilespmem:$0x8080] =	vst v63  }
0x171: {  	v3 =	vld [tilespmem:$0x70];
	_ =	sdelay $0x4  }
0x172: {  	v63 =	vshll.u32 v3, $0x1  }
0x173: {  	v3 =	vand.u32 $0x7, v3;
	v4 =	vand.u32 $0xFFFFFFF0, v63  }
0x174: {  	v3 =	vor.u32 v3, v4  }
0x175: {  	v4 =	vperm.xlane v3, v0;
	_ =	sdelay $0x1  }
0x176: {  	v3 =	vperm.xlane v3, v2;
	v4 =	vadd.s32 v1, v4;
	_ =	sdelay $0x1  }
0x177: {  	v3 =	vadd.s32 v1, v3;
	_ =	sdelay $0x2  }
0x178: {  	[tilespmem:s29], [sflag:$0x1] =	stream.indirect_vreg.gather [hbm4b:s1+s3], $0x80, v4, vm0, $0xb8;
	[tilespmem:$0x8080] =	vst v63  }
0x179: {  	_ = 	snop  }
0x17a: {  	[tilespmem:s30], [sflag:$0x1] =	stream.indirect_vreg.gather [hbm4b:s1+s3], $0x80, v3, vm0, $0xb8;
	[tilespmem:$0x8080] =	vst v63  }
0x17b: {  	_ =	swait.ge [sflag:s31], $0x8000  }
0x17c: {  	p0 =	sne.s32 s12, $0x1;
	[sflag:s31] =	ssyncset.done $0x0  }
.Ltmp0:
0x17d: {  	[sflag:s31] =	ssyncadd.s32 $0xFFFF8000;
	(pc) =	sbr.rel @p0 .LBB2_1-.Ltmp0, $4  }
0x17e: {  	[hbm4b:s11+s3] =	stream.linear.scatter [tilespmem:s14], [sflag:$0x2], $0x8000, $0x38;
	[tilespmem:$0x8080] =	vst v63  }
0x17f: {  	_ =	swait.ge [sflag:s13], $0x8000  }
0x180: {  	[sflag:s13] =	ssyncset.done $0x0  }
0x181: {  	s12 =	sadd.s32 $0xFFFFFFFF, s12;
	[sflag:s13] =	ssyncadd.s32 $0xFFFF8000  }
0x182: {  	_ =	sfence.sel $0x180000  }
0x183: {  	[bflag:$0x0] =	sbarrier.arrive $0xFFFF  }
0x184: {  	p0 =	sne.s32 s2, $0x0;
	_ =	strace $0x90000047  }
0x185: {  	s0 =	sadd.s32 @!p0 $0x100000, s0;
	[bflag:$0x2] =	sbarrier.arrive $0xFFFF  }
0x186: {  	[sflag:s0] =	ssyncadd.tile.s32 @!p0 $0x1;
	_ =	shalt  }
.Lfunc_end2:
_tile_overlayer_lowered:
.L_overlay_start_2:
0x187: {  	(tag) =	ssettag $0x2  }
0x188: {  	s0 =	rddreg [dreg:$0x0];
	s2 =	stileid.u32  }
0x189: {  	s1 =	rddreg [dreg:$0x1];
	p0 =	sne.s32 s2, $0x0  }
0x18a: {  	s3 =	rddreg [dreg:$0x2];
	[bflag:$0x3] =	sbarrier.arrive $0xFFFF;
	s2 =	simm.s32 @!p0 $0x1C02  }
0x18b: {  	[timem:s3], [sflag:s2] =	dma.local @!p0 [hbm:s0], s1  }
0x18c: {  	s0 =	simm.s32 @!p0 $0x2  }
0x18d: {  	_ =	swait.ge @!p0 [sflag:s0], s1  }
0x18e: {  	s1 =	ssub.s32 @!p0 $0x0, s1;
	[sflag:s0] =	ssyncset.done @!p0 $0x0  }
0x18f: {  	[sflag:s0] =	ssyncadd.s32 @!p0 s1  }
0x190: {  	[bflag:$0x3] =	sbarrier.arrive $0xFFFF  }
0x191: {  	_ =	shalt  }

</sc_bundles>
